<compile_context>
chip_gen: v7x
topology: tpu7x:2x2x1
jax: 0.10.2.dev20260603
libtpu: 0.0.44.dev20260713+nightly
codegen_flags: <defaults>
</compile_context>

<pallas_src>
import numpy as np
import jax
import jax.numpy as jnp
from jax import lax
from jax.experimental import pallas as pl
from jax.experimental.pallas import tpu as pltpu
from jax.experimental.pallas import tpu_sc as plsc

S = 197
N = S * S
HALF = 384
JC = 64
NBUF = 2

_info = plsc.get_sparse_core_info()
_NC, _NS = _info.num_cores, _info.num_subcores
NW = _NC * _NS
NCH = -(-N // (JC * NW))
TCH = NCH * NW
_starts = np.minimum(np.arange(TCH) * JC, N - JC)


def _body(ct_hbm, ij_hbm, out_hbm, ij_v, b0, b1, g0, g1, w0, w1):
    wid = lax.axis_index("s") * _NC + lax.axis_index("c")

    pltpu.sync_copy(ij_hbm.at[pl.ds(wid * NCH, NCH)], ij_v)

    buf = (b0, b1)
    gsem, wsem = (g0, g1), (w0, w1)

    def start(t):
        c = wid * NCH + t
        return jnp.minimum(c * JC, N - JC)

    def gather(t):
        p = t % NBUF
        return pltpu.make_async_copy(ct_hbm.at[ij_v.at[t]], buf[p], gsem[p])

    def write(t):
        p = t % NBUF
        return pltpu.make_async_copy(
            buf[p], out_hbm.at[pl.ds(2 * start(t), 2 * JC)], wsem[p])

    gather(0).start()
    for t in range(NCH):
        if t >= NBUF - 1:
            write(t - (NBUF - 1)).wait()
        if t + 1 < NCH:
            gather(t + 1).start()
        gather(t).wait()
        write(t).start()
    for q in range(NBUF - 1, 0, -1):
        write(NCH - q).wait()


def kernel(x_table, y_table, x_dis, y_dis):
    rows = x_table.shape[0]
    ct = jnp.concatenate([x_table, y_table], axis=0)
    ct_rep = jnp.tile(ct, (NW, 1))

    f = jnp.stack([x_dis.reshape(N), y_dis.reshape(N) + rows],
                  axis=-1).reshape(2 * N)
    pos = 2 * _starts[:, None] + np.arange(2 * JC)[None, :]
    owner_off = ((np.arange(TCH) // NCH) * 2 * rows).astype(np.int32)
    ij = f[pos] + owner_off[:, None]

    run = pl.kernel(
        _body,
        out_type=jax.ShapeDtypeStruct((2 * N, HALF), jnp.float32),
        compiler_params=pltpu.CompilerParams(use_tc_tiling_on_sc=False),
        mesh=plsc.VectorSubcoreMesh(core_axis_name="c", subcore_axis_name="s"),
        scratch_types=[
            pltpu.VMEM((NCH, 2 * JC), jnp.int32),
            pltpu.VMEM((2 * JC, HALF), jnp.float32),
            pltpu.VMEM((2 * JC, HALF), jnp.float32),
            pltpu.SemaphoreType.DMA,
            pltpu.SemaphoreType.DMA,
            pltpu.SemaphoreType.DMA,
            pltpu.SemaphoreType.DMA,
        ],
    )
    return run(ct_rep, ij).reshape(S, S, 2 * HALF)

# --- scband reference (transcript-rebuilt; emitter-appended) ---
"""Pipeline reference for scband-relative-position-embedding2-d-41678362640934 (READ-ONLY COPY).

The authoritative reference and input builder live on the scoring server;
editing this copy changes nothing except your own understanding.
"""

import jax, jax.numpy as jnp
import numpy as np

EMBED_DIM = 768
SEQ_LEN = 197
MAX_DIST = 13


def _get_xpos(num_patch, start_idx=0):
    n = int(num_patch ** 0.5)
    x = np.arange(start_idx, n + start_idx)
    x = np.tile(x[None, :], (n, 1)).reshape(-1)
    return x


def _get_ypos(num_patch, start_idx=0):
    n = int(num_patch ** 0.5)
    return np.repeat(np.arange(start_idx, n + start_idx), n)


def _generate_relative_dis(pos, max_dist):
    # dis[i, j] = pos[j] - pos[i]  (matches torch pos.unsqueeze(0) - pos.unsqueeze(1))
    dis = pos[None, :] - pos[:, None]
    dis = np.clip(dis, -max_dist, max_dist)
    dis = dis + max_dist + 1
    dis = np.pad(dis, ((1, 0), (1, 0)), mode='constant', constant_values=0)
    return dis


def setup_inputs(seed: int = 0) -> dict:
    key = jax.random.key(seed)
    k1, k2 = jax.random.split(key)
    num_rows = MAX_DIST * 2 + 2  # 28
    half = EMBED_DIM // 2  # 384
    x_table = jax.random.normal(k1, (num_rows, half), dtype=jnp.float32)
    y_table = jax.random.normal(k2, (num_rows, half), dtype=jnp.float32)
    num_patch = SEQ_LEN - 1
    x_pos = _get_xpos(num_patch)
    y_pos = _get_ypos(num_patch)
    x_dis = jnp.asarray(_generate_relative_dis(x_pos, MAX_DIST), dtype=jnp.int32)
    y_dis = jnp.asarray(_generate_relative_dis(y_pos, MAX_DIST), dtype=jnp.int32)
    return {"x_table": x_table, "y_table": y_table, "x_dis": x_dis, "y_dis": y_dis}


def reference(x_table, y_table, x_dis, y_dis):
    x_pos_emb = jnp.take(x_table, x_dis, axis=0)  # [S, S, D/2]
    y_pos_emb = jnp.take(y_table, y_dis, axis=0)  # [S, S, D/2]
    pos_emb = jnp.concatenate((x_pos_emb, y_pos_emb), axis=-1)  # [S, S, D]
    return pos_emb

if __name__ == "__main__":
    import jax
    _d = setup_inputs()
    print(jax.jit(kernel)(*tuple(_d.values())))

</pallas_src>

<mosaic_0001>
#map = affine_map<(d0, d1) -> (0, 0)>
module attributes {stable_mosaic.version = 14 : i64} {
  func.func @_body(%arg0: i32, %arg1: i32, %arg2: memref<1792x384xf32, #tpu.memory_space<hbm>>, %arg3: memref<608x128xi32, #tpu.memory_space<hbm>>, %arg4: memref<77618x384xf32, #tpu.memory_space<hbm>>, %arg5: memref<19x128xi32, #tpu.memory_space<vmem>>, %arg6: memref<128x384xf32, #tpu.memory_space<vmem>>, %arg7: memref<128x384xf32, #tpu.memory_space<vmem>>, %arg8: memref<!tpu.dma_semaphore, #tpu.memory_space<semaphore_mem>>, %arg9: memref<!tpu.dma_semaphore, #tpu.memory_space<semaphore_mem>>, %arg10: memref<!tpu.dma_semaphore, #tpu.memory_space<semaphore_mem>>, %arg11: memref<!tpu.dma_semaphore, #tpu.memory_space<semaphore_mem>>) attributes {dimension_semantics = [#tpu.dimension_semantics<core_parallel>, #tpu.dimension_semantics<subcore_parallel>], iteration_bounds = array<i64: 2, 16>, scalar_prefetch = 0 : i64, scratch_operands = 7 : i64, tpu.core_type = #tpu.core_type<sc_vector_subcore>, window_params = [{transform_indices = #map}, {transform_indices = #map}, {transform_indices = #map}]} {
    %mul3A = arith.constant 2 : i32
    %mul3A_0 = arith.muli %arg1, %mul3A : i32
    %add3A = arith.addi %mul3A_0, %arg0 : i32
    %mul3A_1 = arith.constant 19 : i32
    %mul3A_2 = arith.muli %add3A, %mul3A_1 : i32
    "tpu.region"() ({
      %run_scoped3A = tpu.sem_alloc : memref<!tpu.dma_semaphore, #tpu.memory_space<semaphore_mem>>
      %dma_start3A_798 = arith.constant 0 : i32
      %dma_start3A_799 = tpu.memref_slice %arg3[%mul3A_2, %dma_start3A_798] : memref<608x128xi32, #tpu.memory_space<hbm>> -> memref<19x128xi32, #tpu.memory_space<hbm>>
      %dma_start3A_800 = arith.constant 0 : i32
      %dma_start3A_801 = tpu.memref_slice %arg3[%mul3A_2, %dma_start3A_800] : memref<608x128xi32, #tpu.memory_space<hbm>> -> memref<19x128xi32, #tpu.memory_space<hbm>>
      tpu.enqueue_dma source(%dma_start3A_801 : memref<19x128xi32, #tpu.memory_space<hbm>>) target(%arg5 : memref<19x128xi32, #tpu.memory_space<vmem>>) target_semaphore(%run_scoped3A : memref<!tpu.dma_semaphore, #tpu.memory_space<semaphore_mem>>)
      %dma_wait3A_802 = arith.constant 0 : i32
      %dma_wait3A_803 = tpu.memref_slice %arg3[%mul3A_2, %dma_wait3A_802] : memref<608x128xi32, #tpu.memory_space<hbm>> -> memref<19x128xi32, #tpu.memory_space<hbm>>
      %dma_wait3A_804 = arith.constant 0 : i32
      %dma_wait3A_805 = tpu.memref_slice %arg3[%mul3A_2, %dma_wait3A_804] : memref<608x128xi32, #tpu.memory_space<hbm>> -> memref<19x128xi32, #tpu.memory_space<hbm>>
      tpu.wait_dma2 semaphore(%run_scoped3A : memref<!tpu.dma_semaphore, #tpu.memory_space<semaphore_mem>>) src(%dma_wait3A_805 : memref<19x128xi32, #tpu.memory_space<hbm>>) dst(%arg5 : memref<19x128xi32, #tpu.memory_space<vmem>>)
      tpu.yield
    }) : () -> ()
    %dma_start3A = arith.constant 0 : i32
    %dma_start3A_3 = arith.constant 0 : i32
    %dma_start3A_4 = tpu.memref_slice %arg5[%dma_start3A, %dma_start3A_3] : memref<19x128xi32, #tpu.memory_space<vmem>> -> memref<1x128xi32, #tpu.memory_space<vmem>>
    %dma_start3A_5 = tpu.memref_squeeze %dma_start3A_4 : memref<1x128xi32, #tpu.memory_space<vmem>> -> memref<128xi32, #tpu.memory_space<vmem>>
    %dma_start3A_6 = arith.constant 0 : i32
    %dma_start3A_7 = arith.constant 0 : i32
    %dma_start3A_8 = tpu.memref_slice %arg2[%dma_start3A_6, %dma_start3A_7] : memref<1792x384xf32, #tpu.memory_space<hbm>> -> memref<1792x384xf32, #tpu.memory_space<hbm>>
    tpu.enqueue_indirect_dma source(%dma_start3A_8 : memref<1792x384xf32, #tpu.memory_space<hbm>>) target(%arg6 : memref<128x384xf32, #tpu.memory_space<vmem>>) offsets(%dma_start3A_5 : memref<128xi32, #tpu.memory_space<vmem>>) semaphore(%arg8 : memref<!tpu.dma_semaphore, #tpu.memory_space<semaphore_mem>>)
    %dma_start3A_9 = arith.constant 1 : i32
    %dma_start3A_10 = arith.constant 0 : i32
    %dma_start3A_11 = tpu.memref_slice %arg5[%dma_start3A_9, %dma_start3A_10] : memref<19x128xi32, #tpu.memory_space<vmem>> -> memref<1x128xi32, #tpu.memory_space<vmem>>
    %dma_start3A_12 = tpu.memref_squeeze %dma_start3A_11 : memref<1x128xi32, #tpu.memory_space<vmem>> -> memref<128xi32, #tpu.memory_space<vmem>>
    %dma_start3A_13 = arith.constant 0 : i32
    %dma_start3A_14 = arith.constant 0 : i32
    %dma_start3A_15 = tpu.memref_slice %arg2[%dma_start3A_13, %dma_start3A_14] : memref<1792x384xf32, #tpu.memory_space<hbm>> -> memref<1792x384xf32, #tpu.memory_space<hbm>>
    tpu.enqueue_indirect_dma source(%dma_start3A_15 : memref<1792x384xf32, #tpu.memory_space<hbm>>) target(%arg7 : memref<128x384xf32, #tpu.memory_space<vmem>>) offsets(%dma_start3A_12 : memref<128xi32, #tpu.memory_space<vmem>>) semaphore(%arg9 : memref<!tpu.dma_semaphore, #tpu.memory_space<semaphore_mem>>)
    %dma_wait3A = arith.constant 0 : i32
    %dma_wait3A_16 = arith.constant 0 : i32
    %dma_wait3A_17 = tpu.memref_slice %arg5[%dma_wait3A, %dma_wait3A_16] : memref<19x128xi32, #tpu.memory_space<vmem>> -> memref<1x128xi32, #tpu.memory_space<vmem>>
    %dma_wait3A_18 = tpu.memref_squeeze %dma_wait3A_17 : memref<1x128xi32, #tpu.memory_space<vmem>> -> memref<128xi32, #tpu.memory_space<vmem>>
    %dma_wait3A_19 = arith.constant 0 : i32
    %dma_wait3A_20 = arith.constant 0 : i32
    %dma_wait3A_21 = tpu.memref_slice %arg2[%dma_wait3A_19, %dma_wait3A_20] : memref<1792x384xf32, #tpu.memory_space<hbm>> -> memref<1792x384xf32, #tpu.memory_space<hbm>>
    tpu.wait_indirect_dma semaphore(%arg8 : memref<!tpu.dma_semaphore, #tpu.memory_space<semaphore_mem>>) src(%dma_wait3A_21 : memref<1792x384xf32, #tpu.memory_space<hbm>>) dst(%arg6 : memref<128x384xf32, #tpu.memory_space<vmem>>)
    %mul3A_22 = arith.constant 19 : i32
    %mul3A_23 = arith.muli %add3A, %mul3A_22 : i32
    %add3A_24 = arith.constant 0 : i32
    %add3A_25 = arith.addi %mul3A_23, %add3A_24 : i32
    %mul3A_26 = arith.constant 64 : i32
    %mul3A_27 = arith.muli %add3A_25, %mul3A_26 : i32
    %min3A = arith.constant 38745 : i32
    %min3A_28 = arith.minsi %mul3A_27, %min3A : i32
    %mul3A_29 = arith.constant 2 : i32
    %mul3A_30 = arith.muli %mul3A_29, %min3A_28 : i32
    %dma_start3A_31 = arith.constant 0 : i32
    %dma_start3A_32 = tpu.memref_slice %arg4[%mul3A_30, %dma_start3A_31] : memref<77618x384xf32, #tpu.memory_space<hbm>> -> memref<128x384xf32, #tpu.memory_space<hbm>>
    %dma_start3A_33 = arith.constant 0 : i32
    %dma_start3A_34 = tpu.memref_slice %arg4[%mul3A_30, %dma_start3A_33] : memref<77618x384xf32, #tpu.memory_space<hbm>> -> memref<128x384xf32, #tpu.memory_space<hbm>>
    tpu.enqueue_dma source(%arg6 : memref<128x384xf32, #tpu.memory_space<vmem>>) target(%dma_start3A_34 : memref<128x384xf32, #tpu.memory_space<hbm>>) target_semaphore(%arg10 : memref<!tpu.dma_semaphore, #tpu.memory_space<semaphore_mem>>)
    %mul3A_35 = arith.constant 19 : i32
    %mul3A_36 = arith.muli %add3A, %mul3A_35 : i32
    %add3A_37 = arith.constant 0 : i32
    %add3A_38 = arith.addi %mul3A_36, %add3A_37 : i32
    %mul3A_39 = arith.constant 64 : i32
    %mul3A_40 = arith.muli %add3A_38, %mul3A_39 : i32
    %min3A_41 = arith.constant 38745 : i32
    %min3A_42 = arith.minsi %mul3A_40, %min3A_41 : i32
    %mul3A_43 = arith.constant 2 : i32
    %mul3A_44 = arith.muli %mul3A_43, %min3A_42 : i32
    %dma_wait3A_45 = arith.constant 0 : i32
    %dma_wait3A_46 = tpu.memref_slice %arg4[%mul3A_44, %dma_wait3A_45] : memref<77618x384xf32, #tpu.memory_space<hbm>> -> memref<128x384xf32, #tpu.memory_space<hbm>>
    %dma_wait3A_47 = arith.constant 0 : i32
    %dma_wait3A_48 = tpu.memref_slice %arg4[%mul3A_44, %dma_wait3A_47] : memref<77618x384xf32, #tpu.memory_space<hbm>> -> memref<128x384xf32, #tpu.memory_space<hbm>>
    tpu.wait_dma2 semaphore(%arg10 : memref<!tpu.dma_semaphore, #tpu.memory_space<semaphore_mem>>) src(%arg6 : memref<128x384xf32, #tpu.memory_space<vmem>>) dst(%dma_wait3A_48 : memref<128x384xf32, #tpu.memory_space<hbm>>)
    %dma_start3A_49 = arith.constant 2 : i32
    %dma_start3A_50 = arith.constant 0 : i32
    %dma_start3A_51 = tpu.memref_slice %arg5[%dma_start3A_49, %dma_start3A_50] : memref<19x128xi32, #tpu.memory_space<vmem>> -> memref<1x128xi32, #tpu.memory_space<vmem>>
    %dma_start3A_52 = tpu.memref_squeeze %dma_start3A_51 : memref<1x128xi32, #tpu.memory_space<vmem>> -> memref<128xi32, #tpu.memory_space<vmem>>
    %dma_start3A_53 = arith.constant 0 : i32
    %dma_start3A_54 = arith.constant 0 : i32
    %dma_start3A_55 = tpu.memref_slice %arg2[%dma_start3A_53, %dma_start3A_54] : memref<1792x384xf32, #tpu.memory_space<hbm>> -> memref<1792x384xf32, #tpu.memory_space<hbm>>
    tpu.enqueue_indirect_dma source(%dma_start3A_55 : memref<1792x384xf32, #tpu.memory_space<hbm>>) target(%arg6 : memref<128x384xf32, #tpu.memory_space<vmem>>) offsets(%dma_start3A_52 : memref<128xi32, #tpu.memory_space<vmem>>) semaphore(%arg8 : memref<!tpu.dma_semaphore, #tpu.memory_space<semaphore_mem>>)
    %dma_wait3A_56 = arith.constant 1 : i32
    %dma_wait3A_57 = arith.constant 0 : i32
    %dma_wait3A_58 = tpu.memref_slice %arg5[%dma_wait3A_56, %dma_wait3A_57] : memref<19x128xi32, #tpu.memory_space<vmem>> -> memref<1x128xi32, #tpu.memory_space<vmem>>
    %dma_wait3A_59 = tpu.memref_squeeze %dma_wait3A_58 : memref<1x128xi32, #tpu.memory_space<vmem>> -> memref<128xi32, #tpu.memory_space<vmem>>
    %dma_wait3A_60 = arith.constant 0 : i32
    %dma_wait3A_61 = arith.constant 0 : i32
    %dma_wait3A_62 = tpu.memref_slice %arg2[%dma_wait3A_60, %dma_wait3A_61] : memref<1792x384xf32, #tpu.memory_space<hbm>> -> memref<1792x384xf32, #tpu.memory_space<hbm>>
    tpu.wait_indirect_dma semaphore(%arg9 : memref<!tpu.dma_semaphore, #tpu.memory_space<semaphore_mem>>) src(%dma_wait3A_62 : memref<1792x384xf32, #tpu.memory_space<hbm>>) dst(%arg7 : memref<128x384xf32, #tpu.memory_space<vmem>>)
    %mul3A_63 = arith.constant 19 : i32
    %mul3A_64 = arith.muli %add3A, %mul3A_63 : i32
    %add3A_65 = arith.constant 1 : i32
    %add3A_66 = arith.addi %mul3A_64, %add3A_65 : i32
    %mul3A_67 = arith.constant 64 : i32
    %mul3A_68 = arith.muli %add3A_66, %mul3A_67 : i32
    %min3A_69 = arith.constant 38745 : i32
    %min3A_70 = arith.minsi %mul3A_68, %min3A_69 : i32
    %mul3A_71 = arith.constant 2 : i32
    %mul3A_72 = arith.muli %mul3A_71, %min3A_70 : i32
    %dma_start3A_73 = arith.constant 0 : i32
    %dma_start3A_74 = tpu.memref_slice %arg4[%mul3A_72, %dma_start3A_73] : memref<77618x384xf32, #tpu.memory_space<hbm>> -> memref<128x384xf32, #tpu.memory_space<hbm>>
    %dma_start3A_75 = arith.constant 0 : i32
    %dma_start3A_76 = tpu.memref_slice %arg4[%mul3A_72, %dma_start3A_75] : memref<77618x384xf32, #tpu.memory_space<hbm>> -> memref<128x384xf32, #tpu.memory_space<hbm>>
    tpu.enqueue_dma source(%arg7 : memref<128x384xf32, #tpu.memory_space<vmem>>) target(%dma_start3A_76 : memref<128x384xf32, #tpu.memory_space<hbm>>) target_semaphore(%arg11 : memref<!tpu.dma_semaphore, #tpu.memory_space<semaphore_mem>>)
    %mul3A_77 = arith.constant 19 : i32
    %mul3A_78 = arith.muli %add3A, %mul3A_77 : i32
    %add3A_79 = arith.constant 1 : i32
    %add3A_80 = arith.addi %mul3A_78, %add3A_79 : i32
    %mul3A_81 = arith.constant 64 : i32
    %mul3A_82 = arith.muli %add3A_80, %mul3A_81 : i32
    %min3A_83 = arith.constant 38745 : i32
    %min3A_84 = arith.minsi %mul3A_82, %min3A_83 : i32
    %mul3A_85 = arith.constant 2 : i32
    %mul3A_86 = arith.muli %mul3A_85, %min3A_84 : i32
    %dma_wait3A_87 = arith.constant 0 : i32
    %dma_wait3A_88 = tpu.memref_slice %arg4[%mul3A_86, %dma_wait3A_87] : memref<77618x384xf32, #tpu.memory_space<hbm>> -> memref<128x384xf32, #tpu.memory_space<hbm>>
    %dma_wait3A_89 = arith.constant 0 : i32
    %dma_wait3A_90 = tpu.memref_slice %arg4[%mul3A_86, %dma_wait3A_89] : memref<77618x384xf32, #tpu.memory_space<hbm>> -> memref<128x384xf32, #tpu.memory_space<hbm>>
    tpu.wait_dma2 semaphore(%arg11 : memref<!tpu.dma_semaphore, #tpu.memory_space<semaphore_mem>>) src(%arg7 : memref<128x384xf32, #tpu.memory_space<vmem>>) dst(%dma_wait3A_90 : memref<128x384xf32, #tpu.memory_space<hbm>>)
    %dma_start3A_91 = arith.constant 3 : i32
    %dma_start3A_92 = arith.constant 0 : i32
    %dma_start3A_93 = tpu.memref_slice %arg5[%dma_start3A_91, %dma_start3A_92] : memref<19x128xi32, #tpu.memory_space<vmem>> -> memref<1x128xi32, #tpu.memory_space<vmem>>
    %dma_start3A_94 = tpu.memref_squeeze %dma_start3A_93 : memref<1x128xi32, #tpu.memory_space<vmem>> -> memref<128xi32, #tpu.memory_space<vmem>>
    %dma_start3A_95 = arith.constant 0 : i32
    %dma_start3A_96 = arith.constant 0 : i32
    %dma_start3A_97 = tpu.memref_slice %arg2[%dma_start3A_95, %dma_start3A_96] : memref<1792x384xf32, #tpu.memory_space<hbm>> -> memref<1792x384xf32, #tpu.memory_space<hbm>>
    tpu.enqueue_indirect_dma source(%dma_start3A_97 : memref<1792x384xf32, #tpu.memory_space<hbm>>) target(%arg7 : memref<128x384xf32, #tpu.memory_space<vmem>>) offsets(%dma_start3A_94 : memref<128xi32, #tpu.memory_space<vmem>>) semaphore(%arg9 : memref<!tpu.dma_semaphore, #tpu.memory_space<semaphore_mem>>)
    %dma_wait3A_98 = arith.constant 2 : i32
    %dma_wait3A_99 = arith.constant 0 : i32
    %dma_wait3A_100 = tpu.memref_slice %arg5[%dma_wait3A_98, %dma_wait3A_99] : memref<19x128xi32, #tpu.memory_space<vmem>> -> memref<1x128xi32, #tpu.memory_space<vmem>>
    %dma_wait3A_101 = tpu.memref_squeeze %dma_wait3A_100 : memref<1x128xi32, #tpu.memory_space<vmem>> -> memref<128xi32, #tpu.memory_space<vmem>>
    %dma_wait3A_102 = arith.constant 0 : i32
    %dma_wait3A_103 = arith.constant 0 : i32
    %dma_wait3A_104 = tpu.memref_slice %arg2[%dma_wait3A_102, %dma_wait3A_103] : memref<1792x384xf32, #tpu.memory_space<hbm>> -> memref<1792x384xf32, #tpu.memory_space<hbm>>
    tpu.wait_indirect_dma semaphore(%arg8 : memref<!tpu.dma_semaphore, #tpu.memory_space<semaphore_mem>>) src(%dma_wait3A_104 : memref<1792x384xf32, #tpu.memory_space<hbm>>) dst(%arg6 : memref<128x384xf32, #tpu.memory_space<vmem>>)
    %mul3A_105 = arith.constant 19 : i32
    %mul3A_106 = arith.muli %add3A, %mul3A_105 : i32
    %add3A_107 = arith.constant 2 : i32
    %add3A_108 = arith.addi %mul3A_106, %add3A_107 : i32
    %mul3A_109 = arith.constant 64 : i32
    %mul3A_110 = arith.muli %add3A_108, %mul3A_109 : i32
    %min3A_111 = arith.constant 38745 : i32
    %min3A_112 = arith.minsi %mul3A_110, %min3A_111 : i32
    %mul3A_113 = arith.constant 2 : i32
    %mul3A_114 = arith.muli %mul3A_113, %min3A_112 : i32
    %dma_start3A_115 = arith.constant 0 : i32
    %dma_start3A_116 = tpu.memref_slice %arg4[%mul3A_114, %dma_start3A_115] : memref<77618x384xf32, #tpu.memory_space<hbm>> -> memref<128x384xf32, #tpu.memory_space<hbm>>
    %dma_start3A_117 = arith.constant 0 : i32
    %dma_start3A_118 = tpu.memref_slice %arg4[%mul3A_114, %dma_start3A_117] : memref<77618x384xf32, #tpu.memory_space<hbm>> -> memref<128x384xf32, #tpu.memory_space<hbm>>
    tpu.enqueue_dma source(%arg6 : memref<128x384xf32, #tpu.memory_space<vmem>>) target(%dma_start3A_118 : memref<128x384xf32, #tpu.memory_space<hbm>>) target_semaphore(%arg10 : memref<!tpu.dma_semaphore, #tpu.memory_space<semaphore_mem>>)
    %mul3A_119 = arith.constant 19 : i32
    %mul3A_120 = arith.muli %add3A, %mul3A_119 : i32
    %add3A_121 = arith.constant 2 : i32
    %add3A_122 = arith.addi %mul3A_120, %add3A_121 : i32
    %mul3A_123 = arith.constant 64 : i32
    %mul3A_124 = arith.muli %add3A_122, %mul3A_123 : i32
    %min3A_125 = arith.constant 38745 : i32
    %min3A_126 = arith.minsi %mul3A_124, %min3A_125 : i32
    %mul3A_127 = arith.constant 2 : i32
    %mul3A_128 = arith.muli %mul3A_127, %min3A_126 : i32
    %dma_wait3A_129 = arith.constant 0 : i32
    %dma_wait3A_130 = tpu.memref_slice %arg4[%mul3A_128, %dma_wait3A_129] : memref<77618x384xf32, #tpu.memory_space<hbm>> -> memref<128x384xf32, #tpu.memory_space<hbm>>
    %dma_wait3A_131 = arith.constant 0 : i32
    %dma_wait3A_132 = tpu.memref_slice %arg4[%mul3A_128, %dma_wait3A_131] : memref<77618x384xf32, #tpu.memory_space<hbm>> -> memref<128x384xf32, #tpu.memory_space<hbm>>
    tpu.wait_dma2 semaphore(%arg10 : memref<!tpu.dma_semaphore, #tpu.memory_space<semaphore_mem>>) src(%arg6 : memref<128x384xf32, #tpu.memory_space<vmem>>) dst(%dma_wait3A_132 : memref<128x384xf32, #tpu.memory_space<hbm>>)
    %dma_start3A_133 = arith.constant 4 : i32
    %dma_start3A_134 = arith.constant 0 : i32
    %dma_start3A_135 = tpu.memref_slice %arg5[%dma_start3A_133, %dma_start3A_134] : memref<19x128xi32, #tpu.memory_space<vmem>> -> memref<1x128xi32, #tpu.memory_space<vmem>>
    %dma_start3A_136 = tpu.memref_squeeze %dma_start3A_135 : memref<1x128xi32, #tpu.memory_space<vmem>> -> memref<128xi32, #tpu.memory_space<vmem>>
    %dma_start3A_137 = arith.constant 0 : i32
    %dma_start3A_138 = arith.constant 0 : i32
    %dma_start3A_139 = tpu.memref_slice %arg2[%dma_start3A_137, %dma_start3A_138] : memref<1792x384xf32, #tpu.memory_space<hbm>> -> memref<1792x384xf32, #tpu.memory_space<hbm>>
    tpu.enqueue_indirect_dma source(%dma_start3A_139 : memref<1792x384xf32, #tpu.memory_space<hbm>>) target(%arg6 : memref<128x384xf32, #tpu.memory_space<vmem>>) offsets(%dma_start3A_136 : memref<128xi32, #tpu.memory_space<vmem>>) semaphore(%arg8 : memref<!tpu.dma_semaphore, #tpu.memory_space<semaphore_mem>>)
    %dma_wait3A_140 = arith.constant 3 : i32
    %dma_wait3A_141 = arith.constant 0 : i32
    %dma_wait3A_142 = tpu.memref_slice %arg5[%dma_wait3A_140, %dma_wait3A_141] : memref<19x128xi32, #tpu.memory_space<vmem>> -> memref<1x128xi32, #tpu.memory_space<vmem>>
    %dma_wait3A_143 = tpu.memref_squeeze %dma_wait3A_142 : memref<1x128xi32, #tpu.memory_space<vmem>> -> memref<128xi32, #tpu.memory_space<vmem>>
    %dma_wait3A_144 = arith.constant 0 : i32
    %dma_wait3A_145 = arith.constant 0 : i32
    %dma_wait3A_146 = tpu.memref_slice %arg2[%dma_wait3A_144, %dma_wait3A_145] : memref<1792x384xf32, #tpu.memory_space<hbm>> -> memref<1792x384xf32, #tpu.memory_space<hbm>>
    tpu.wait_indirect_dma semaphore(%arg9 : memref<!tpu.dma_semaphore, #tpu.memory_space<semaphore_mem>>) src(%dma_wait3A_146 : memref<1792x384xf32, #tpu.memory_space<hbm>>) dst(%arg7 : memref<128x384xf32, #tpu.memory_space<vmem>>)
    %mul3A_147 = arith.constant 19 : i32
    %mul3A_148 = arith.muli %add3A, %mul3A_147 : i32
    %add3A_149 = arith.constant 3 : i32
    %add3A_150 = arith.addi %mul3A_148, %add3A_149 : i32
    %mul3A_151 = arith.constant 64 : i32
    %mul3A_152 = arith.muli %add3A_150, %mul3A_151 : i32
    %min3A_153 = arith.constant 38745 : i32
    %min3A_154 = arith.minsi %mul3A_152, %min3A_153 : i32
    %mul3A_155 = arith.constant 2 : i32
    %mul3A_156 = arith.muli %mul3A_155, %min3A_154 : i32
    %dma_start3A_157 = arith.constant 0 : i32
    %dma_start3A_158 = tpu.memref_slice %arg4[%mul3A_156, %dma_start3A_157] : memref<77618x384xf32, #tpu.memory_space<hbm>> -> memref<128x384xf32, #tpu.memory_space<hbm>>
    %dma_start3A_159 = arith.constant 0 : i32
    %dma_start3A_160 = tpu.memref_slice %arg4[%mul3A_156, %dma_start3A_159] : memref<77618x384xf32, #tpu.memory_space<hbm>> -> memref<128x384xf32, #tpu.memory_space<hbm>>
    tpu.enqueue_dma source(%arg7 : memref<128x384xf32, #tpu.memory_space<vmem>>) target(%dma_start3A_160 : memref<128x384xf32, #tpu.memory_space<hbm>>) target_semaphore(%arg11 : memref<!tpu.dma_semaphore, #tpu.memory_space<semaphore_mem>>)
    %mul3A_161 = arith.constant 19 : i32
    %mul3A_162 = arith.muli %add3A, %mul3A_161 : i32
    %add3A_163 = arith.constant 3 : i32
    %add3A_164 = arith.addi %mul3A_162, %add3A_163 : i32
    %mul3A_165 = arith.constant 64 : i32
    %mul3A_166 = arith.muli %add3A_164, %mul3A_165 : i32
    %min3A_167 = arith.constant 38745 : i32
    %min3A_168 = arith.minsi %mul3A_166, %min3A_167 : i32
    %mul3A_169 = arith.constant 2 : i32
    %mul3A_170 = arith.muli %mul3A_169, %min3A_168 : i32
    %dma_wait3A_171 = arith.constant 0 : i32
    %dma_wait3A_172 = tpu.memref_slice %arg4[%mul3A_170, %dma_wait3A_171] : memref<77618x384xf32, #tpu.memory_space<hbm>> -> memref<128x384xf32, #tpu.memory_space<hbm>>
    %dma_wait3A_173 = arith.constant 0 : i32
    %dma_wait3A_174 = tpu.memref_slice %arg4[%mul3A_170, %dma_wait3A_173] : memref<77618x384xf32, #tpu.memory_space<hbm>> -> memref<128x384xf32, #tpu.memory_space<hbm>>
    tpu.wait_dma2 semaphore(%arg11 : memref<!tpu.dma_semaphore, #tpu.memory_space<semaphore_mem>>) src(%arg7 : memref<128x384xf32, #tpu.memory_space<vmem>>) dst(%dma_wait3A_174 : memref<128x384xf32, #tpu.memory_space<hbm>>)
    %dma_start3A_175 = arith.constant 5 : i32
    %dma_start3A_176 = arith.constant 0 : i32
    %dma_start3A_177 = tpu.memref_slice %arg5[%dma_start3A_175, %dma_start3A_176] : memref<19x128xi32, #tpu.memory_space<vmem>> -> memref<1x128xi32, #tpu.memory_space<vmem>>
    %dma_start3A_178 = tpu.memref_squeeze %dma_start3A_177 : memref<1x128xi32, #tpu.memory_space<vmem>> -> memref<128xi32, #tpu.memory_space<vmem>>
    %dma_start3A_179 = arith.constant 0 : i32
    %dma_start3A_180 = arith.constant 0 : i32
    %dma_start3A_181 = tpu.memref_slice %arg2[%dma_start3A_179, %dma_start3A_180] : memref<1792x384xf32, #tpu.memory_space<hbm>> -> memref<1792x384xf32, #tpu.memory_space<hbm>>
    tpu.enqueue_indirect_dma source(%dma_start3A_181 : memref<1792x384xf32, #tpu.memory_space<hbm>>) target(%arg7 : memref<128x384xf32, #tpu.memory_space<vmem>>) offsets(%dma_start3A_178 : memref<128xi32, #tpu.memory_space<vmem>>) semaphore(%arg9 : memref<!tpu.dma_semaphore, #tpu.memory_space<semaphore_mem>>)
    %dma_wait3A_182 = arith.constant 4 : i32
    %dma_wait3A_183 = arith.constant 0 : i32
    %dma_wait3A_184 = tpu.memref_slice %arg5[%dma_wait3A_182, %dma_wait3A_183] : memref<19x128xi32, #tpu.memory_space<vmem>> -> memref<1x128xi32, #tpu.memory_space<vmem>>
    %dma_wait3A_185 = tpu.memref_squeeze %dma_wait3A_184 : memref<1x128xi32, #tpu.memory_space<vmem>> -> memref<128xi32, #tpu.memory_space<vmem>>
    %dma_wait3A_186 = arith.constant 0 : i32
    %dma_wait3A_187 = arith.constant 0 : i32
    %dma_wait3A_188 = tpu.memref_slice %arg2[%dma_wait3A_186, %dma_wait3A_187] : memref<1792x384xf32, #tpu.memory_space<hbm>> -> memref<1792x384xf32, #tpu.memory_space<hbm>>
    tpu.wait_indirect_dma semaphore(%arg8 : memref<!tpu.dma_semaphore, #tpu.memory_space<semaphore_mem>>) src(%dma_wait3A_188 : memref<1792x384xf32, #tpu.memory_space<hbm>>) dst(%arg6 : memref<128x384xf32, #tpu.memory_space<vmem>>)
    %mul3A_189 = arith.constant 19 : i32
    %mul3A_190 = arith.muli %add3A, %mul3A_189 : i32
    %add3A_191 = arith.constant 4 : i32
    %add3A_192 = arith.addi %mul3A_190, %add3A_191 : i32
    %mul3A_193 = arith.constant 64 : i32
    %mul3A_194 = arith.muli %add3A_192, %mul3A_193 : i32
    %min3A_195 = arith.constant 38745 : i32
    %min3A_196 = arith.minsi %mul3A_194, %min3A_195 : i32
    %mul3A_197 = arith.constant 2 : i32
    %mul3A_198 = arith.muli %mul3A_197, %min3A_196 : i32
    %dma_start3A_199 = arith.constant 0 : i32
    %dma_start3A_200 = tpu.memref_slice %arg4[%mul3A_198, %dma_start3A_199] : memref<77618x384xf32, #tpu.memory_space<hbm>> -> memref<128x384xf32, #tpu.memory_space<hbm>>
    %dma_start3A_201 = arith.constant 0 : i32
    %dma_start3A_202 = tpu.memref_slice %arg4[%mul3A_198, %dma_start3A_201] : memref<77618x384xf32, #tpu.memory_space<hbm>> -> memref<128x384xf32, #tpu.memory_space<hbm>>
    tpu.enqueue_dma source(%arg6 : memref<128x384xf32, #tpu.memory_space<vmem>>) target(%dma_start3A_202 : memref<128x384xf32, #tpu.memory_space<hbm>>) target_semaphore(%arg10 : memref<!tpu.dma_semaphore, #tpu.memory_space<semaphore_mem>>)
    %mul3A_203 = arith.constant 19 : i32
    %mul3A_204 = arith.muli %add3A, %mul3A_203 : i32
    %add3A_205 = arith.constant 4 : i32
    %add3A_206 = arith.addi %mul3A_204, %add3A_205 : i32
    %mul3A_207 = arith.constant 64 : i32
    %mul3A_208 = arith.muli %add3A_206, %mul3A_207 : i32
    %min3A_209 = arith.constant 38745 : i32
    %min3A_210 = arith.minsi %mul3A_208, %min3A_209 : i32
    %mul3A_211 = arith.constant 2 : i32
    %mul3A_212 = arith.muli %mul3A_211, %min3A_210 : i32
    %dma_wait3A_213 = arith.constant 0 : i32
    %dma_wait3A_214 = tpu.memref_slice %arg4[%mul3A_212, %dma_wait3A_213] : memref<77618x384xf32, #tpu.memory_space<hbm>> -> memref<128x384xf32, #tpu.memory_space<hbm>>
    %dma_wait3A_215 = arith.constant 0 : i32
    %dma_wait3A_216 = tpu.memref_slice %arg4[%mul3A_212, %dma_wait3A_215] : memref<77618x384xf32, #tpu.memory_space<hbm>> -> memref<128x384xf32, #tpu.memory_space<hbm>>
    tpu.wait_dma2 semaphore(%arg10 : memref<!tpu.dma_semaphore, #tpu.memory_space<semaphore_mem>>) src(%arg6 : memref<128x384xf32, #tpu.memory_space<vmem>>) dst(%dma_wait3A_216 : memref<128x384xf32, #tpu.memory_space<hbm>>)
    %dma_start3A_217 = arith.constant 6 : i32
    %dma_start3A_218 = arith.constant 0 : i32
    %dma_start3A_219 = tpu.memref_slice %arg5[%dma_start3A_217, %dma_start3A_218] : memref<19x128xi32, #tpu.memory_space<vmem>> -> memref<1x128xi32, #tpu.memory_space<vmem>>
    %dma_start3A_220 = tpu.memref_squeeze %dma_start3A_219 : memref<1x128xi32, #tpu.memory_space<vmem>> -> memref<128xi32, #tpu.memory_space<vmem>>
    %dma_start3A_221 = arith.constant 0 : i32
    %dma_start3A_222 = arith.constant 0 : i32
    %dma_start3A_223 = tpu.memref_slice %arg2[%dma_start3A_221, %dma_start3A_222] : memref<1792x384xf32, #tpu.memory_space<hbm>> -> memref<1792x384xf32, #tpu.memory_space<hbm>>
    tpu.enqueue_indirect_dma source(%dma_start3A_223 : memref<1792x384xf32, #tpu.memory_space<hbm>>) target(%arg6 : memref<128x384xf32, #tpu.memory_space<vmem>>) offsets(%dma_start3A_220 : memref<128xi32, #tpu.memory_space<vmem>>) semaphore(%arg8 : memref<!tpu.dma_semaphore, #tpu.memory_space<semaphore_mem>>)
    %dma_wait3A_224 = arith.constant 5 : i32
    %dma_wait3A_225 = arith.constant 0 : i32
    %dma_wait3A_226 = tpu.memref_slice %arg5[%dma_wait3A_224, %dma_wait3A_225] : memref<19x128xi32, #tpu.memory_space<vmem>> -> memref<1x128xi32, #tpu.memory_space<vmem>>
    %dma_wait3A_227 = tpu.memref_squeeze %dma_wait3A_226 : memref<1x128xi32, #tpu.memory_space<vmem>> -> memref<128xi32, #tpu.memory_space<vmem>>
    %dma_wait3A_228 = arith.constant 0 : i32
    %dma_wait3A_229 = arith.constant 0 : i32
    %dma_wait3A_230 = tpu.memref_slice %arg2[%dma_wait3A_228, %dma_wait3A_229] : memref<1792x384xf32, #tpu.memory_space<hbm>> -> memref<1792x384xf32, #tpu.memory_space<hbm>>
    tpu.wait_indirect_dma semaphore(%arg9 : memref<!tpu.dma_semaphore, #tpu.memory_space<semaphore_mem>>) src(%dma_wait3A_230 : memref<1792x384xf32, #tpu.memory_space<hbm>>) dst(%arg7 : memref<128x384xf32, #tpu.memory_space<vmem>>)
    %mul3A_231 = arith.constant 19 : i32
    %mul3A_232 = arith.muli %add3A, %mul3A_231 : i32
    %add3A_233 = arith.constant 5 : i32
    %add3A_234 = arith.addi %mul3A_232, %add3A_233 : i32
    %mul3A_235 = arith.constant 64 : i32
    %mul3A_236 = arith.muli %add3A_234, %mul3A_235 : i32
    %min3A_237 = arith.constant 38745 : i32
    %min3A_238 = arith.minsi %mul3A_236, %min3A_237 : i32
    %mul3A_239 = arith.constant 2 : i32
    %mul3A_240 = arith.muli %mul3A_239, %min3A_238 : i32
    %dma_start3A_241 = arith.constant 0 : i32
    %dma_start3A_242 = tpu.memref_slice %arg4[%mul3A_240, %dma_start3A_241] : memref<77618x384xf32, #tpu.memory_space<hbm>> -> memref<128x384xf32, #tpu.memory_space<hbm>>
    %dma_start3A_243 = arith.constant 0 : i32
    %dma_start3A_244 = tpu.memref_slice %arg4[%mul3A_240, %dma_start3A_243] : memref<77618x384xf32, #tpu.memory_space<hbm>> -> memref<128x384xf32, #tpu.memory_space<hbm>>
    tpu.enqueue_dma source(%arg7 : memref<128x384xf32, #tpu.memory_space<vmem>>) target(%dma_start3A_244 : memref<128x384xf32, #tpu.memory_space<hbm>>) target_semaphore(%arg11 : memref<!tpu.dma_semaphore, #tpu.memory_space<semaphore_mem>>)
    %mul3A_245 = arith.constant 19 : i32
    %mul3A_246 = arith.muli %add3A, %mul3A_245 : i32
    %add3A_247 = arith.constant 5 : i32
    %add3A_248 = arith.addi %mul3A_246, %add3A_247 : i32
    %mul3A_249 = arith.constant 64 : i32
    %mul3A_250 = arith.muli %add3A_248, %mul3A_249 : i32
    %min3A_251 = arith.constant 38745 : i32
    %min3A_252 = arith.minsi %mul3A_250, %min3A_251 : i32
    %mul3A_253 = arith.constant 2 : i32
    %mul3A_254 = arith.muli %mul3A_253, %min3A_252 : i32
    %dma_wait3A_255 = arith.constant 0 : i32
    %dma_wait3A_256 = tpu.memref_slice %arg4[%mul3A_254, %dma_wait3A_255] : memref<77618x384xf32, #tpu.memory_space<hbm>> -> memref<128x384xf32, #tpu.memory_space<hbm>>
    %dma_wait3A_257 = arith.constant 0 : i32
    %dma_wait3A_258 = tpu.memref_slice %arg4[%mul3A_254, %dma_wait3A_257] : memref<77618x384xf32, #tpu.memory_space<hbm>> -> memref<128x384xf32, #tpu.memory_space<hbm>>
    tpu.wait_dma2 semaphore(%arg11 : memref<!tpu.dma_semaphore, #tpu.memory_space<semaphore_mem>>) src(%arg7 : memref<128x384xf32, #tpu.memory_space<vmem>>) dst(%dma_wait3A_258 : memref<128x384xf32, #tpu.memory_space<hbm>>)
    %dma_start3A_259 = arith.constant 7 : i32
    %dma_start3A_260 = arith.constant 0 : i32
    %dma_start3A_261 = tpu.memref_slice %arg5[%dma_start3A_259, %dma_start3A_260] : memref<19x128xi32, #tpu.memory_space<vmem>> -> memref<1x128xi32, #tpu.memory_space<vmem>>
    %dma_start3A_262 = tpu.memref_squeeze %dma_start3A_261 : memref<1x128xi32, #tpu.memory_space<vmem>> -> memref<128xi32, #tpu.memory_space<vmem>>
    %dma_start3A_263 = arith.constant 0 : i32
    %dma_start3A_264 = arith.constant 0 : i32
    %dma_start3A_265 = tpu.memref_slice %arg2[%dma_start3A_263, %dma_start3A_264] : memref<1792x384xf32, #tpu.memory_space<hbm>> -> memref<1792x384xf32, #tpu.memory_space<hbm>>
    tpu.enqueue_indirect_dma source(%dma_start3A_265 : memref<1792x384xf32, #tpu.memory_space<hbm>>) target(%arg7 : memref<128x384xf32, #tpu.memory_space<vmem>>) offsets(%dma_start3A_262 : memref<128xi32, #tpu.memory_space<vmem>>) semaphore(%arg9 : memref<!tpu.dma_semaphore, #tpu.memory_space<semaphore_mem>>)
    %dma_wait3A_266 = arith.constant 6 : i32
    %dma_wait3A_267 = arith.constant 0 : i32
    %dma_wait3A_268 = tpu.memref_slice %arg5[%dma_wait3A_266, %dma_wait3A_267] : memref<19x128xi32, #tpu.memory_space<vmem>> -> memref<1x128xi32, #tpu.memory_space<vmem>>
    %dma_wait3A_269 = tpu.memref_squeeze %dma_wait3A_268 : memref<1x128xi32, #tpu.memory_space<vmem>> -> memref<128xi32, #tpu.memory_space<vmem>>
    %dma_wait3A_270 = arith.constant 0 : i32
    %dma_wait3A_271 = arith.constant 0 : i32
    %dma_wait3A_272 = tpu.memref_slice %arg2[%dma_wait3A_270, %dma_wait3A_271] : memref<1792x384xf32, #tpu.memory_space<hbm>> -> memref<1792x384xf32, #tpu.memory_space<hbm>>
    tpu.wait_indirect_dma semaphore(%arg8 : memref<!tpu.dma_semaphore, #tpu.memory_space<semaphore_mem>>) src(%dma_wait3A_272 : memref<1792x384xf32, #tpu.memory_space<hbm>>) dst(%arg6 : memref<128x384xf32, #tpu.memory_space<vmem>>)
    %mul3A_273 = arith.constant 19 : i32
    %mul3A_274 = arith.muli %add3A, %mul3A_273 : i32
    %add3A_275 = arith.constant 6 : i32
    %add3A_276 = arith.addi %mul3A_274, %add3A_275 : i32
    %mul3A_277 = arith.constant 64 : i32
    %mul3A_278 = arith.muli %add3A_276, %mul3A_277 : i32
    %min3A_279 = arith.constant 38745 : i32
    %min3A_280 = arith.minsi %mul3A_278, %min3A_279 : i32
    %mul3A_281 = arith.constant 2 : i32
    %mul3A_282 = arith.muli %mul3A_281, %min3A_280 : i32
    %dma_start3A_283 = arith.constant 0 : i32
    %dma_start3A_284 = tpu.memref_slice %arg4[%mul3A_282, %dma_start3A_283] : memref<77618x384xf32, #tpu.memory_space<hbm>> -> memref<128x384xf32, #tpu.memory_space<hbm>>
    %dma_start3A_285 = arith.constant 0 : i32
    %dma_start3A_286 = tpu.memref_slice %arg4[%mul3A_282, %dma_start3A_285] : memref<77618x384xf32, #tpu.memory_space<hbm>> -> memref<128x384xf32, #tpu.memory_space<hbm>>
    tpu.enqueue_dma source(%arg6 : memref<128x384xf32, #tpu.memory_space<vmem>>) target(%dma_start3A_286 : memref<128x384xf32, #tpu.memory_space<hbm>>) target_semaphore(%arg10 : memref<!tpu.dma_semaphore, #tpu.memory_space<semaphore_mem>>)
    %mul3A_287 = arith.constant 19 : i32
    %mul3A_288 = arith.muli %add3A, %mul3A_287 : i32
    %add3A_289 = arith.constant 6 : i32
    %add3A_290 = arith.addi %mul3A_288, %add3A_289 : i32
    %mul3A_291 = arith.constant 64 : i32
    %mul3A_292 = arith.muli %add3A_290, %mul3A_291 : i32
    %min3A_293 = arith.constant 38745 : i32
    %min3A_294 = arith.minsi %mul3A_292, %min3A_293 : i32
    %mul3A_295 = arith.constant 2 : i32
    %mul3A_296 = arith.muli %mul3A_295, %min3A_294 : i32
    %dma_wait3A_297 = arith.constant 0 : i32
    %dma_wait3A_298 = tpu.memref_slice %arg4[%mul3A_296, %dma_wait3A_297] : memref<77618x384xf32, #tpu.memory_space<hbm>> -> memref<128x384xf32, #tpu.memory_space<hbm>>
    %dma_wait3A_299 = arith.constant 0 : i32
    %dma_wait3A_300 = tpu.memref_slice %arg4[%mul3A_296, %dma_wait3A_299] : memref<77618x384xf32, #tpu.memory_space<hbm>> -> memref<128x384xf32, #tpu.memory_space<hbm>>
    tpu.wait_dma2 semaphore(%arg10 : memref<!tpu.dma_semaphore, #tpu.memory_space<semaphore_mem>>) src(%arg6 : memref<128x384xf32, #tpu.memory_space<vmem>>) dst(%dma_wait3A_300 : memref<128x384xf32, #tpu.memory_space<hbm>>)
    %dma_start3A_301 = arith.constant 8 : i32
    %dma_start3A_302 = arith.constant 0 : i32
    %dma_start3A_303 = tpu.memref_slice %arg5[%dma_start3A_301, %dma_start3A_302] : memref<19x128xi32, #tpu.memory_space<vmem>> -> memref<1x128xi32, #tpu.memory_space<vmem>>
    %dma_start3A_304 = tpu.memref_squeeze %dma_start3A_303 : memref<1x128xi32, #tpu.memory_space<vmem>> -> memref<128xi32, #tpu.memory_space<vmem>>
    %dma_start3A_305 = arith.constant 0 : i32
    %dma_start3A_306 = arith.constant 0 : i32
    %dma_start3A_307 = tpu.memref_slice %arg2[%dma_start3A_305, %dma_start3A_306] : memref<1792x384xf32, #tpu.memory_space<hbm>> -> memref<1792x384xf32, #tpu.memory_space<hbm>>
    tpu.enqueue_indirect_dma source(%dma_start3A_307 : memref<1792x384xf32, #tpu.memory_space<hbm>>) target(%arg6 : memref<128x384xf32, #tpu.memory_space<vmem>>) offsets(%dma_start3A_304 : memref<128xi32, #tpu.memory_space<vmem>>) semaphore(%arg8 : memref<!tpu.dma_semaphore, #tpu.memory_space<semaphore_mem>>)
    %dma_wait3A_308 = arith.constant 7 : i32
    %dma_wait3A_309 = arith.constant 0 : i32
    %dma_wait3A_310 = tpu.memref_slice %arg5[%dma_wait3A_308, %dma_wait3A_309] : memref<19x128xi32, #tpu.memory_space<vmem>> -> memref<1x128xi32, #tpu.memory_space<vmem>>
    %dma_wait3A_311 = tpu.memref_squeeze %dma_wait3A_310 : memref<1x128xi32, #tpu.memory_space<vmem>> -> memref<128xi32, #tpu.memory_space<vmem>>
    %dma_wait3A_312 = arith.constant 0 : i32
    %dma_wait3A_313 = arith.constant 0 : i32
    %dma_wait3A_314 = tpu.memref_slice %arg2[%dma_wait3A_312, %dma_wait3A_313] : memref<1792x384xf32, #tpu.memory_space<hbm>> -> memref<1792x384xf32, #tpu.memory_space<hbm>>
    tpu.wait_indirect_dma semaphore(%arg9 : memref<!tpu.dma_semaphore, #tpu.memory_space<semaphore_mem>>) src(%dma_wait3A_314 : memref<1792x384xf32, #tpu.memory_space<hbm>>) dst(%arg7 : memref<128x384xf32, #tpu.memory_space<vmem>>)
    %mul3A_315 = arith.constant 19 : i32
    %mul3A_316 = arith.muli %add3A, %mul3A_315 : i32
    %add3A_317 = arith.constant 7 : i32
    %add3A_318 = arith.addi %mul3A_316, %add3A_317 : i32
    %mul3A_319 = arith.constant 64 : i32
    %mul3A_320 = arith.muli %add3A_318, %mul3A_319 : i32
    %min3A_321 = arith.constant 38745 : i32
    %min3A_322 = arith.minsi %mul3A_320, %min3A_321 : i32
    %mul3A_323 = arith.constant 2 : i32
    %mul3A_324 = arith.muli %mul3A_323, %min3A_322 : i32
    %dma_start3A_325 = arith.constant 0 : i32
    %dma_start3A_326 = tpu.memref_slice %arg4[%mul3A_324, %dma_start3A_325] : memref<77618x384xf32, #tpu.memory_space<hbm>> -> memref<128x384xf32, #tpu.memory_space<hbm>>
    %dma_start3A_327 = arith.constant 0 : i32
    %dma_start3A_328 = tpu.memref_slice %arg4[%mul3A_324, %dma_start3A_327] : memref<77618x384xf32, #tpu.memory_space<hbm>> -> memref<128x384xf32, #tpu.memory_space<hbm>>
    tpu.enqueue_dma source(%arg7 : memref<128x384xf32, #tpu.memory_space<vmem>>) target(%dma_start3A_328 : memref<128x384xf32, #tpu.memory_space<hbm>>) target_semaphore(%arg11 : memref<!tpu.dma_semaphore, #tpu.memory_space<semaphore_mem>>)
    %mul3A_329 = arith.constant 19 : i32
    %mul3A_330 = arith.muli %add3A, %mul3A_329 : i32
    %add3A_331 = arith.constant 7 : i32
    %add3A_332 = arith.addi %mul3A_330, %add3A_331 : i32
    %mul3A_333 = arith.constant 64 : i32
    %mul3A_334 = arith.muli %add3A_332, %mul3A_333 : i32
    %min3A_335 = arith.constant 38745 : i32
    %min3A_336 = arith.minsi %mul3A_334, %min3A_335 : i32
    %mul3A_337 = arith.constant 2 : i32
    %mul3A_338 = arith.muli %mul3A_337, %min3A_336 : i32
    %dma_wait3A_339 = arith.constant 0 : i32
    %dma_wait3A_340 = tpu.memref_slice %arg4[%mul3A_338, %dma_wait3A_339] : memref<77618x384xf32, #tpu.memory_space<hbm>> -> memref<128x384xf32, #tpu.memory_space<hbm>>
    %dma_wait3A_341 = arith.constant 0 : i32
    %dma_wait3A_342 = tpu.memref_slice %arg4[%mul3A_338, %dma_wait3A_341] : memref<77618x384xf32, #tpu.memory_space<hbm>> -> memref<128x384xf32, #tpu.memory_space<hbm>>
    tpu.wait_dma2 semaphore(%arg11 : memref<!tpu.dma_semaphore, #tpu.memory_space<semaphore_mem>>) src(%arg7 : memref<128x384xf32, #tpu.memory_space<vmem>>) dst(%dma_wait3A_342 : memref<128x384xf32, #tpu.memory_space<hbm>>)
    %dma_start3A_343 = arith.constant 9 : i32
    %dma_start3A_344 = arith.constant 0 : i32
    %dma_start3A_345 = tpu.memref_slice %arg5[%dma_start3A_343, %dma_start3A_344] : memref<19x128xi32, #tpu.memory_space<vmem>> -> memref<1x128xi32, #tpu.memory_space<vmem>>
    %dma_start3A_346 = tpu.memref_squeeze %dma_start3A_345 : memref<1x128xi32, #tpu.memory_space<vmem>> -> memref<128xi32, #tpu.memory_space<vmem>>
    %dma_start3A_347 = arith.constant 0 : i32
    %dma_start3A_348 = arith.constant 0 : i32
    %dma_start3A_349 = tpu.memref_slice %arg2[%dma_start3A_347, %dma_start3A_348] : memref<1792x384xf32, #tpu.memory_space<hbm>> -> memref<1792x384xf32, #tpu.memory_space<hbm>>
    tpu.enqueue_indirect_dma source(%dma_start3A_349 : memref<1792x384xf32, #tpu.memory_space<hbm>>) target(%arg7 : memref<128x384xf32, #tpu.memory_space<vmem>>) offsets(%dma_start3A_346 : memref<128xi32, #tpu.memory_space<vmem>>) semaphore(%arg9 : memref<!tpu.dma_semaphore, #tpu.memory_space<semaphore_mem>>)
    %dma_wait3A_350 = arith.constant 8 : i32
    %dma_wait3A_351 = arith.constant 0 : i32
    %dma_wait3A_352 = tpu.memref_slice %arg5[%dma_wait3A_350, %dma_wait3A_351] : memref<19x128xi32, #tpu.memory_space<vmem>> -> memref<1x128xi32, #tpu.memory_space<vmem>>
    %dma_wait3A_353 = tpu.memref_squeeze %dma_wait3A_352 : memref<1x128xi32, #tpu.memory_space<vmem>> -> memref<128xi32, #tpu.memory_space<vmem>>
    %dma_wait3A_354 = arith.constant 0 : i32
    %dma_wait3A_355 = arith.constant 0 : i32
    %dma_wait3A_356 = tpu.memref_slice %arg2[%dma_wait3A_354, %dma_wait3A_355] : memref<1792x384xf32, #tpu.memory_space<hbm>> -> memref<1792x384xf32, #tpu.memory_space<hbm>>
    tpu.wait_indirect_dma semaphore(%arg8 : memref<!tpu.dma_semaphore, #tpu.memory_space<semaphore_mem>>) src(%dma_wait3A_356 : memref<1792x384xf32, #tpu.memory_space<hbm>>) dst(%arg6 : memref<128x384xf32, #tpu.memory_space<vmem>>)
    %mul3A_357 = arith.constant 19 : i32
    %mul3A_358 = arith.muli %add3A, %mul3A_357 : i32
    %add3A_359 = arith.constant 8 : i32
    %add3A_360 = arith.addi %mul3A_358, %add3A_359 : i32
    %mul3A_361 = arith.constant 64 : i32
    %mul3A_362 = arith.muli %add3A_360, %mul3A_361 : i32
    %min3A_363 = arith.constant 38745 : i32
    %min3A_364 = arith.minsi %mul3A_362, %min3A_363 : i32
    %mul3A_365 = arith.constant 2 : i32
    %mul3A_366 = arith.muli %mul3A_365, %min3A_364 : i32
    %dma_start3A_367 = arith.constant 0 : i32
    %dma_start3A_368 = tpu.memref_slice %arg4[%mul3A_366, %dma_start3A_367] : memref<77618x384xf32, #tpu.memory_space<hbm>> -> memref<128x384xf32, #tpu.memory_space<hbm>>
    %dma_start3A_369 = arith.constant 0 : i32
    %dma_start3A_370 = tpu.memref_slice %arg4[%mul3A_366, %dma_start3A_369] : memref<77618x384xf32, #tpu.memory_space<hbm>> -> memref<128x384xf32, #tpu.memory_space<hbm>>
    tpu.enqueue_dma source(%arg6 : memref<128x384xf32, #tpu.memory_space<vmem>>) target(%dma_start3A_370 : memref<128x384xf32, #tpu.memory_space<hbm>>) target_semaphore(%arg10 : memref<!tpu.dma_semaphore, #tpu.memory_space<semaphore_mem>>)
    %mul3A_371 = arith.constant 19 : i32
    %mul3A_372 = arith.muli %add3A, %mul3A_371 : i32
    %add3A_373 = arith.constant 8 : i32
    %add3A_374 = arith.addi %mul3A_372, %add3A_373 : i32
    %mul3A_375 = arith.constant 64 : i32
    %mul3A_376 = arith.muli %add3A_374, %mul3A_375 : i32
    %min3A_377 = arith.constant 38745 : i32
    %min3A_378 = arith.minsi %mul3A_376, %min3A_377 : i32
    %mul3A_379 = arith.constant 2 : i32
    %mul3A_380 = arith.muli %mul3A_379, %min3A_378 : i32
    %dma_wait3A_381 = arith.constant 0 : i32
    %dma_wait3A_382 = tpu.memref_slice %arg4[%mul3A_380, %dma_wait3A_381] : memref<77618x384xf32, #tpu.memory_space<hbm>> -> memref<128x384xf32, #tpu.memory_space<hbm>>
    %dma_wait3A_383 = arith.constant 0 : i32
    %dma_wait3A_384 = tpu.memref_slice %arg4[%mul3A_380, %dma_wait3A_383] : memref<77618x384xf32, #tpu.memory_space<hbm>> -> memref<128x384xf32, #tpu.memory_space<hbm>>
    tpu.wait_dma2 semaphore(%arg10 : memref<!tpu.dma_semaphore, #tpu.memory_space<semaphore_mem>>) src(%arg6 : memref<128x384xf32, #tpu.memory_space<vmem>>) dst(%dma_wait3A_384 : memref<128x384xf32, #tpu.memory_space<hbm>>)
    %dma_start3A_385 = arith.constant 10 : i32
    %dma_start3A_386 = arith.constant 0 : i32
    %dma_start3A_387 = tpu.memref_slice %arg5[%dma_start3A_385, %dma_start3A_386] : memref<19x128xi32, #tpu.memory_space<vmem>> -> memref<1x128xi32, #tpu.memory_space<vmem>>
    %dma_start3A_388 = tpu.memref_squeeze %dma_start3A_387 : memref<1x128xi32, #tpu.memory_space<vmem>> -> memref<128xi32, #tpu.memory_space<vmem>>
    %dma_start3A_389 = arith.constant 0 : i32
    %dma_start3A_390 = arith.constant 0 : i32
    %dma_start3A_391 = tpu.memref_slice %arg2[%dma_start3A_389, %dma_start3A_390] : memref<1792x384xf32, #tpu.memory_space<hbm>> -> memref<1792x384xf32, #tpu.memory_space<hbm>>
    tpu.enqueue_indirect_dma source(%dma_start3A_391 : memref<1792x384xf32, #tpu.memory_space<hbm>>) target(%arg6 : memref<128x384xf32, #tpu.memory_space<vmem>>) offsets(%dma_start3A_388 : memref<128xi32, #tpu.memory_space<vmem>>) semaphore(%arg8 : memref<!tpu.dma_semaphore, #tpu.memory_space<semaphore_mem>>)
    %dma_wait3A_392 = arith.constant 9 : i32
    %dma_wait3A_393 = arith.constant 0 : i32
    %dma_wait3A_394 = tpu.memref_slice %arg5[%dma_wait3A_392, %dma_wait3A_393] : memref<19x128xi32, #tpu.memory_space<vmem>> -> memref<1x128xi32, #tpu.memory_space<vmem>>
    %dma_wait3A_395 = tpu.memref_squeeze %dma_wait3A_394 : memref<1x128xi32, #tpu.memory_space<vmem>> -> memref<128xi32, #tpu.memory_space<vmem>>
    %dma_wait3A_396 = arith.constant 0 : i32
    %dma_wait3A_397 = arith.constant 0 : i32
    %dma_wait3A_398 = tpu.memref_slice %arg2[%dma_wait3A_396, %dma_wait3A_397] : memref<1792x384xf32, #tpu.memory_space<hbm>> -> memref<1792x384xf32, #tpu.memory_space<hbm>>
    tpu.wait_indirect_dma semaphore(%arg9 : memref<!tpu.dma_semaphore, #tpu.memory_space<semaphore_mem>>) src(%dma_wait3A_398 : memref<1792x384xf32, #tpu.memory_space<hbm>>) dst(%arg7 : memref<128x384xf32, #tpu.memory_space<vmem>>)
    %mul3A_399 = arith.constant 19 : i32
    %mul3A_400 = arith.muli %add3A, %mul3A_399 : i32
    %add3A_401 = arith.constant 9 : i32
    %add3A_402 = arith.addi %mul3A_400, %add3A_401 : i32
    %mul3A_403 = arith.constant 64 : i32
    %mul3A_404 = arith.muli %add3A_402, %mul3A_403 : i32
    %min3A_405 = arith.constant 38745 : i32
    %min3A_406 = arith.minsi %mul3A_404, %min3A_405 : i32
    %mul3A_407 = arith.constant 2 : i32
    %mul3A_408 = arith.muli %mul3A_407, %min3A_406 : i32
    %dma_start3A_409 = arith.constant 0 : i32
    %dma_start3A_410 = tpu.memref_slice %arg4[%mul3A_408, %dma_start3A_409] : memref<77618x384xf32, #tpu.memory_space<hbm>> -> memref<128x384xf32, #tpu.memory_space<hbm>>
    %dma_start3A_411 = arith.constant 0 : i32
    %dma_start3A_412 = tpu.memref_slice %arg4[%mul3A_408, %dma_start3A_411] : memref<77618x384xf32, #tpu.memory_space<hbm>> -> memref<128x384xf32, #tpu.memory_space<hbm>>
    tpu.enqueue_dma source(%arg7 : memref<128x384xf32, #tpu.memory_space<vmem>>) target(%dma_start3A_412 : memref<128x384xf32, #tpu.memory_space<hbm>>) target_semaphore(%arg11 : memref<!tpu.dma_semaphore, #tpu.memory_space<semaphore_mem>>)
    %mul3A_413 = arith.constant 19 : i32
    %mul3A_414 = arith.muli %add3A, %mul3A_413 : i32
    %add3A_415 = arith.constant 9 : i32
    %add3A_416 = arith.addi %mul3A_414, %add3A_415 : i32
    %mul3A_417 = arith.constant 64 : i32
    %mul3A_418 = arith.muli %add3A_416, %mul3A_417 : i32
    %min3A_419 = arith.constant 38745 : i32
    %min3A_420 = arith.minsi %mul3A_418, %min3A_419 : i32
    %mul3A_421 = arith.constant 2 : i32
    %mul3A_422 = arith.muli %mul3A_421, %min3A_420 : i32
    %dma_wait3A_423 = arith.constant 0 : i32
    %dma_wait3A_424 = tpu.memref_slice %arg4[%mul3A_422, %dma_wait3A_423] : memref<77618x384xf32, #tpu.memory_space<hbm>> -> memref<128x384xf32, #tpu.memory_space<hbm>>
    %dma_wait3A_425 = arith.constant 0 : i32
    %dma_wait3A_426 = tpu.memref_slice %arg4[%mul3A_422, %dma_wait3A_425] : memref<77618x384xf32, #tpu.memory_space<hbm>> -> memref<128x384xf32, #tpu.memory_space<hbm>>
    tpu.wait_dma2 semaphore(%arg11 : memref<!tpu.dma_semaphore, #tpu.memory_space<semaphore_mem>>) src(%arg7 : memref<128x384xf32, #tpu.memory_space<vmem>>) dst(%dma_wait3A_426 : memref<128x384xf32, #tpu.memory_space<hbm>>)
    %dma_start3A_427 = arith.constant 11 : i32
    %dma_start3A_428 = arith.constant 0 : i32
    %dma_start3A_429 = tpu.memref_slice %arg5[%dma_start3A_427, %dma_start3A_428] : memref<19x128xi32, #tpu.memory_space<vmem>> -> memref<1x128xi32, #tpu.memory_space<vmem>>
    %dma_start3A_430 = tpu.memref_squeeze %dma_start3A_429 : memref<1x128xi32, #tpu.memory_space<vmem>> -> memref<128xi32, #tpu.memory_space<vmem>>
    %dma_start3A_431 = arith.constant 0 : i32
    %dma_start3A_432 = arith.constant 0 : i32
    %dma_start3A_433 = tpu.memref_slice %arg2[%dma_start3A_431, %dma_start3A_432] : memref<1792x384xf32, #tpu.memory_space<hbm>> -> memref<1792x384xf32, #tpu.memory_space<hbm>>
    tpu.enqueue_indirect_dma source(%dma_start3A_433 : memref<1792x384xf32, #tpu.memory_space<hbm>>) target(%arg7 : memref<128x384xf32, #tpu.memory_space<vmem>>) offsets(%dma_start3A_430 : memref<128xi32, #tpu.memory_space<vmem>>) semaphore(%arg9 : memref<!tpu.dma_semaphore, #tpu.memory_space<semaphore_mem>>)
    %dma_wait3A_434 = arith.constant 10 : i32
    %dma_wait3A_435 = arith.constant 0 : i32
    %dma_wait3A_436 = tpu.memref_slice %arg5[%dma_wait3A_434, %dma_wait3A_435] : memref<19x128xi32, #tpu.memory_space<vmem>> -> memref<1x128xi32, #tpu.memory_space<vmem>>
    %dma_wait3A_437 = tpu.memref_squeeze %dma_wait3A_436 : memref<1x128xi32, #tpu.memory_space<vmem>> -> memref<128xi32, #tpu.memory_space<vmem>>
    %dma_wait3A_438 = arith.constant 0 : i32
    %dma_wait3A_439 = arith.constant 0 : i32
    %dma_wait3A_440 = tpu.memref_slice %arg2[%dma_wait3A_438, %dma_wait3A_439] : memref<1792x384xf32, #tpu.memory_space<hbm>> -> memref<1792x384xf32, #tpu.memory_space<hbm>>
    tpu.wait_indirect_dma semaphore(%arg8 : memref<!tpu.dma_semaphore, #tpu.memory_space<semaphore_mem>>) src(%dma_wait3A_440 : memref<1792x384xf32, #tpu.memory_space<hbm>>) dst(%arg6 : memref<128x384xf32, #tpu.memory_space<vmem>>)
    %mul3A_441 = arith.constant 19 : i32
    %mul3A_442 = arith.muli %add3A, %mul3A_441 : i32
    %add3A_443 = arith.constant 10 : i32
    %add3A_444 = arith.addi %mul3A_442, %add3A_443 : i32
    %mul3A_445 = arith.constant 64 : i32
    %mul3A_446 = arith.muli %add3A_444, %mul3A_445 : i32
    %min3A_447 = arith.constant 38745 : i32
    %min3A_448 = arith.minsi %mul3A_446, %min3A_447 : i32
    %mul3A_449 = arith.constant 2 : i32
    %mul3A_450 = arith.muli %mul3A_449, %min3A_448 : i32
    %dma_start3A_451 = arith.constant 0 : i32
    %dma_start3A_452 = tpu.memref_slice %arg4[%mul3A_450, %dma_start3A_451] : memref<77618x384xf32, #tpu.memory_space<hbm>> -> memref<128x384xf32, #tpu.memory_space<hbm>>
    %dma_start3A_453 = arith.constant 0 : i32
    %dma_start3A_454 = tpu.memref_slice %arg4[%mul3A_450, %dma_start3A_453] : memref<77618x384xf32, #tpu.memory_space<hbm>> -> memref<128x384xf32, #tpu.memory_space<hbm>>
    tpu.enqueue_dma source(%arg6 : memref<128x384xf32, #tpu.memory_space<vmem>>) target(%dma_start3A_454 : memref<128x384xf32, #tpu.memory_space<hbm>>) target_semaphore(%arg10 : memref<!tpu.dma_semaphore, #tpu.memory_space<semaphore_mem>>)
    %mul3A_455 = arith.constant 19 : i32
    %mul3A_456 = arith.muli %add3A, %mul3A_455 : i32
    %add3A_457 = arith.constant 10 : i32
    %add3A_458 = arith.addi %mul3A_456, %add3A_457 : i32
    %mul3A_459 = arith.constant 64 : i32
    %mul3A_460 = arith.muli %add3A_458, %mul3A_459 : i32
    %min3A_461 = arith.constant 38745 : i32
    %min3A_462 = arith.minsi %mul3A_460, %min3A_461 : i32
    %mul3A_463 = arith.constant 2 : i32
    %mul3A_464 = arith.muli %mul3A_463, %min3A_462 : i32
    %dma_wait3A_465 = arith.constant 0 : i32
    %dma_wait3A_466 = tpu.memref_slice %arg4[%mul3A_464, %dma_wait3A_465] : memref<77618x384xf32, #tpu.memory_space<hbm>> -> memref<128x384xf32, #tpu.memory_space<hbm>>
    %dma_wait3A_467 = arith.constant 0 : i32
    %dma_wait3A_468 = tpu.memref_slice %arg4[%mul3A_464, %dma_wait3A_467] : memref<77618x384xf32, #tpu.memory_space<hbm>> -> memref<128x384xf32, #tpu.memory_space<hbm>>
    tpu.wait_dma2 semaphore(%arg10 : memref<!tpu.dma_semaphore, #tpu.memory_space<semaphore_mem>>) src(%arg6 : memref<128x384xf32, #tpu.memory_space<vmem>>) dst(%dma_wait3A_468 : memref<128x384xf32, #tpu.memory_space<hbm>>)
    %dma_start3A_469 = arith.constant 12 : i32
    %dma_start3A_470 = arith.constant 0 : i32
    %dma_start3A_471 = tpu.memref_slice %arg5[%dma_start3A_469, %dma_start3A_470] : memref<19x128xi32, #tpu.memory_space<vmem>> -> memref<1x128xi32, #tpu.memory_space<vmem>>
    %dma_start3A_472 = tpu.memref_squeeze %dma_start3A_471 : memref<1x128xi32, #tpu.memory_space<vmem>> -> memref<128xi32, #tpu.memory_space<vmem>>
    %dma_start3A_473 = arith.constant 0 : i32
    %dma_start3A_474 = arith.constant 0 : i32
    %dma_start3A_475 = tpu.memref_slice %arg2[%dma_start3A_473, %dma_start3A_474] : memref<1792x384xf32, #tpu.memory_space<hbm>> -> memref<1792x384xf32, #tpu.memory_space<hbm>>
    tpu.enqueue_indirect_dma source(%dma_start3A_475 : memref<1792x384xf32, #tpu.memory_space<hbm>>) target(%arg6 : memref<128x384xf32, #tpu.memory_space<vmem>>) offsets(%dma_start3A_472 : memref<128xi32, #tpu.memory_space<vmem>>) semaphore(%arg8 : memref<!tpu.dma_semaphore, #tpu.memory_space<semaphore_mem>>)
    %dma_wait3A_476 = arith.constant 11 : i32
    %dma_wait3A_477 = arith.constant 0 : i32
    %dma_wait3A_478 = tpu.memref_slice %arg5[%dma_wait3A_476, %dma_wait3A_477] : memref<19x128xi32, #tpu.memory_space<vmem>> -> memref<1x128xi32, #tpu.memory_space<vmem>>
    %dma_wait3A_479 = tpu.memref_squeeze %dma_wait3A_478 : memref<1x128xi32, #tpu.memory_space<vmem>> -> memref<128xi32, #tpu.memory_space<vmem>>
    %dma_wait3A_480 = arith.constant 0 : i32
    %dma_wait3A_481 = arith.constant 0 : i32
    %dma_wait3A_482 = tpu.memref_slice %arg2[%dma_wait3A_480, %dma_wait3A_481] : memref<1792x384xf32, #tpu.memory_space<hbm>> -> memref<1792x384xf32, #tpu.memory_space<hbm>>
    tpu.wait_indirect_dma semaphore(%arg9 : memref<!tpu.dma_semaphore, #tpu.memory_space<semaphore_mem>>) src(%dma_wait3A_482 : memref<1792x384xf32, #tpu.memory_space<hbm>>) dst(%arg7 : memref<128x384xf32, #tpu.memory_space<vmem>>)
    %mul3A_483 = arith.constant 19 : i32
    %mul3A_484 = arith.muli %add3A, %mul3A_483 : i32
    %add3A_485 = arith.constant 11 : i32
    %add3A_486 = arith.addi %mul3A_484, %add3A_485 : i32
    %mul3A_487 = arith.constant 64 : i32
    %mul3A_488 = arith.muli %add3A_486, %mul3A_487 : i32
    %min3A_489 = arith.constant 38745 : i32
    %min3A_490 = arith.minsi %mul3A_488, %min3A_489 : i32
    %mul3A_491 = arith.constant 2 : i32
    %mul3A_492 = arith.muli %mul3A_491, %min3A_490 : i32
    %dma_start3A_493 = arith.constant 0 : i32
    %dma_start3A_494 = tpu.memref_slice %arg4[%mul3A_492, %dma_start3A_493] : memref<77618x384xf32, #tpu.memory_space<hbm>> -> memref<128x384xf32, #tpu.memory_space<hbm>>
    %dma_start3A_495 = arith.constant 0 : i32
    %dma_start3A_496 = tpu.memref_slice %arg4[%mul3A_492, %dma_start3A_495] : memref<77618x384xf32, #tpu.memory_space<hbm>> -> memref<128x384xf32, #tpu.memory_space<hbm>>
    tpu.enqueue_dma source(%arg7 : memref<128x384xf32, #tpu.memory_space<vmem>>) target(%dma_start3A_496 : memref<128x384xf32, #tpu.memory_space<hbm>>) target_semaphore(%arg11 : memref<!tpu.dma_semaphore, #tpu.memory_space<semaphore_mem>>)
    %mul3A_497 = arith.constant 19 : i32
    %mul3A_498 = arith.muli %add3A, %mul3A_497 : i32
    %add3A_499 = arith.constant 11 : i32
    %add3A_500 = arith.addi %mul3A_498, %add3A_499 : i32
    %mul3A_501 = arith.constant 64 : i32
    %mul3A_502 = arith.muli %add3A_500, %mul3A_501 : i32
    %min3A_503 = arith.constant 38745 : i32
    %min3A_504 = arith.minsi %mul3A_502, %min3A_503 : i32
    %mul3A_505 = arith.constant 2 : i32
    %mul3A_506 = arith.muli %mul3A_505, %min3A_504 : i32
    %dma_wait3A_507 = arith.constant 0 : i32
    %dma_wait3A_508 = tpu.memref_slice %arg4[%mul3A_506, %dma_wait3A_507] : memref<77618x384xf32, #tpu.memory_space<hbm>> -> memref<128x384xf32, #tpu.memory_space<hbm>>
    %dma_wait3A_509 = arith.constant 0 : i32
    %dma_wait3A_510 = tpu.memref_slice %arg4[%mul3A_506, %dma_wait3A_509] : memref<77618x384xf32, #tpu.memory_space<hbm>> -> memref<128x384xf32, #tpu.memory_space<hbm>>
    tpu.wait_dma2 semaphore(%arg11 : memref<!tpu.dma_semaphore, #tpu.memory_space<semaphore_mem>>) src(%arg7 : memref<128x384xf32, #tpu.memory_space<vmem>>) dst(%dma_wait3A_510 : memref<128x384xf32, #tpu.memory_space<hbm>>)
    %dma_start3A_511 = arith.constant 13 : i32
    %dma_start3A_512 = arith.constant 0 : i32
    %dma_start3A_513 = tpu.memref_slice %arg5[%dma_start3A_511, %dma_start3A_512] : memref<19x128xi32, #tpu.memory_space<vmem>> -> memref<1x128xi32, #tpu.memory_space<vmem>>
    %dma_start3A_514 = tpu.memref_squeeze %dma_start3A_513 : memref<1x128xi32, #tpu.memory_space<vmem>> -> memref<128xi32, #tpu.memory_space<vmem>>
    %dma_start3A_515 = arith.constant 0 : i32
    %dma_start3A_516 = arith.constant 0 : i32
    %dma_start3A_517 = tpu.memref_slice %arg2[%dma_start3A_515, %dma_start3A_516] : memref<1792x384xf32, #tpu.memory_space<hbm>> -> memref<1792x384xf32, #tpu.memory_space<hbm>>
    tpu.enqueue_indirect_dma source(%dma_start3A_517 : memref<1792x384xf32, #tpu.memory_space<hbm>>) target(%arg7 : memref<128x384xf32, #tpu.memory_space<vmem>>) offsets(%dma_start3A_514 : memref<128xi32, #tpu.memory_space<vmem>>) semaphore(%arg9 : memref<!tpu.dma_semaphore, #tpu.memory_space<semaphore_mem>>)
    %dma_wait3A_518 = arith.constant 12 : i32
    %dma_wait3A_519 = arith.constant 0 : i32
    %dma_wait3A_520 = tpu.memref_slice %arg5[%dma_wait3A_518, %dma_wait3A_519] : memref<19x128xi32, #tpu.memory_space<vmem>> -> memref<1x128xi32, #tpu.memory_space<vmem>>
    %dma_wait3A_521 = tpu.memref_squeeze %dma_wait3A_520 : memref<1x128xi32, #tpu.memory_space<vmem>> -> memref<128xi32, #tpu.memory_space<vmem>>
    %dma_wait3A_522 = arith.constant 0 : i32
    %dma_wait3A_523 = arith.constant 0 : i32
    %dma_wait3A_524 = tpu.memref_slice %arg2[%dma_wait3A_522, %dma_wait3A_523] : memref<1792x384xf32, #tpu.memory_space<hbm>> -> memref<1792x384xf32, #tpu.memory_space<hbm>>
    tpu.wait_indirect_dma semaphore(%arg8 : memref<!tpu.dma_semaphore, #tpu.memory_space<semaphore_mem>>) src(%dma_wait3A_524 : memref<1792x384xf32, #tpu.memory_space<hbm>>) dst(%arg6 : memref<128x384xf32, #tpu.memory_space<vmem>>)
    %mul3A_525 = arith.constant 19 : i32
    %mul3A_526 = arith.muli %add3A, %mul3A_525 : i32
    %add3A_527 = arith.constant 12 : i32
    %add3A_528 = arith.addi %mul3A_526, %add3A_527 : i32
    %mul3A_529 = arith.constant 64 : i32
    %mul3A_530 = arith.muli %add3A_528, %mul3A_529 : i32
    %min3A_531 = arith.constant 38745 : i32
    %min3A_532 = arith.minsi %mul3A_530, %min3A_531 : i32
    %mul3A_533 = arith.constant 2 : i32
    %mul3A_534 = arith.muli %mul3A_533, %min3A_532 : i32
    %dma_start3A_535 = arith.constant 0 : i32
    %dma_start3A_536 = tpu.memref_slice %arg4[%mul3A_534, %dma_start3A_535] : memref<77618x384xf32, #tpu.memory_space<hbm>> -> memref<128x384xf32, #tpu.memory_space<hbm>>
    %dma_start3A_537 = arith.constant 0 : i32
    %dma_start3A_538 = tpu.memref_slice %arg4[%mul3A_534, %dma_start3A_537] : memref<77618x384xf32, #tpu.memory_space<hbm>> -> memref<128x384xf32, #tpu.memory_space<hbm>>
    tpu.enqueue_dma source(%arg6 : memref<128x384xf32, #tpu.memory_space<vmem>>) target(%dma_start3A_538 : memref<128x384xf32, #tpu.memory_space<hbm>>) target_semaphore(%arg10 : memref<!tpu.dma_semaphore, #tpu.memory_space<semaphore_mem>>)
    %mul3A_539 = arith.constant 19 : i32
    %mul3A_540 = arith.muli %add3A, %mul3A_539 : i32
    %add3A_541 = arith.constant 12 : i32
    %add3A_542 = arith.addi %mul3A_540, %add3A_541 : i32
    %mul3A_543 = arith.constant 64 : i32
    %mul3A_544 = arith.muli %add3A_542, %mul3A_543 : i32
    %min3A_545 = arith.constant 38745 : i32
    %min3A_546 = arith.minsi %mul3A_544, %min3A_545 : i32
    %mul3A_547 = arith.constant 2 : i32
    %mul3A_548 = arith.muli %mul3A_547, %min3A_546 : i32
    %dma_wait3A_549 = arith.constant 0 : i32
    %dma_wait3A_550 = tpu.memref_slice %arg4[%mul3A_548, %dma_wait3A_549] : memref<77618x384xf32, #tpu.memory_space<hbm>> -> memref<128x384xf32, #tpu.memory_space<hbm>>
    %dma_wait3A_551 = arith.constant 0 : i32
    %dma_wait3A_552 = tpu.memref_slice %arg4[%mul3A_548, %dma_wait3A_551] : memref<77618x384xf32, #tpu.memory_space<hbm>> -> memref<128x384xf32, #tpu.memory_space<hbm>>
    tpu.wait_dma2 semaphore(%arg10 : memref<!tpu.dma_semaphore, #tpu.memory_space<semaphore_mem>>) src(%arg6 : memref<128x384xf32, #tpu.memory_space<vmem>>) dst(%dma_wait3A_552 : memref<128x384xf32, #tpu.memory_space<hbm>>)
    %dma_start3A_553 = arith.constant 14 : i32
    %dma_start3A_554 = arith.constant 0 : i32
    %dma_start3A_555 = tpu.memref_slice %arg5[%dma_start3A_553, %dma_start3A_554] : memref<19x128xi32, #tpu.memory_space<vmem>> -> memref<1x128xi32, #tpu.memory_space<vmem>>
    %dma_start3A_556 = tpu.memref_squeeze %dma_start3A_555 : memref<1x128xi32, #tpu.memory_space<vmem>> -> memref<128xi32, #tpu.memory_space<vmem>>
    %dma_start3A_557 = arith.constant 0 : i32
    %dma_start3A_558 = arith.constant 0 : i32
    %dma_start3A_559 = tpu.memref_slice %arg2[%dma_start3A_557, %dma_start3A_558] : memref<1792x384xf32, #tpu.memory_space<hbm>> -> memref<1792x384xf32, #tpu.memory_space<hbm>>
    tpu.enqueue_indirect_dma source(%dma_start3A_559 : memref<1792x384xf32, #tpu.memory_space<hbm>>) target(%arg6 : memref<128x384xf32, #tpu.memory_space<vmem>>) offsets(%dma_start3A_556 : memref<128xi32, #tpu.memory_space<vmem>>) semaphore(%arg8 : memref<!tpu.dma_semaphore, #tpu.memory_space<semaphore_mem>>)
    %dma_wait3A_560 = arith.constant 13 : i32
    %dma_wait3A_561 = arith.constant 0 : i32
    %dma_wait3A_562 = tpu.memref_slice %arg5[%dma_wait3A_560, %dma_wait3A_561] : memref<19x128xi32, #tpu.memory_space<vmem>> -> memref<1x128xi32, #tpu.memory_space<vmem>>
    %dma_wait3A_563 = tpu.memref_squeeze %dma_wait3A_562 : memref<1x128xi32, #tpu.memory_space<vmem>> -> memref<128xi32, #tpu.memory_space<vmem>>
    %dma_wait3A_564 = arith.constant 0 : i32
    %dma_wait3A_565 = arith.constant 0 : i32
    %dma_wait3A_566 = tpu.memref_slice %arg2[%dma_wait3A_564, %dma_wait3A_565] : memref<1792x384xf32, #tpu.memory_space<hbm>> -> memref<1792x384xf32, #tpu.memory_space<hbm>>
    tpu.wait_indirect_dma semaphore(%arg9 : memref<!tpu.dma_semaphore, #tpu.memory_space<semaphore_mem>>) src(%dma_wait3A_566 : memref<1792x384xf32, #tpu.memory_space<hbm>>) dst(%arg7 : memref<128x384xf32, #tpu.memory_space<vmem>>)
    %mul3A_567 = arith.constant 19 : i32
    %mul3A_568 = arith.muli %add3A, %mul3A_567 : i32
    %add3A_569 = arith.constant 13 : i32
    %add3A_570 = arith.addi %mul3A_568, %add3A_569 : i32
    %mul3A_571 = arith.constant 64 : i32
    %mul3A_572 = arith.muli %add3A_570, %mul3A_571 : i32
    %min3A_573 = arith.constant 38745 : i32
    %min3A_574 = arith.minsi %mul3A_572, %min3A_573 : i32
    %mul3A_575 = arith.constant 2 : i32
    %mul3A_576 = arith.muli %mul3A_575, %min3A_574 : i32
    %dma_start3A_577 = arith.constant 0 : i32
    %dma_start3A_578 = tpu.memref_slice %arg4[%mul3A_576, %dma_start3A_577] : memref<77618x384xf32, #tpu.memory_space<hbm>> -> memref<128x384xf32, #tpu.memory_space<hbm>>
    %dma_start3A_579 = arith.constant 0 : i32
    %dma_start3A_580 = tpu.memref_slice %arg4[%mul3A_576, %dma_start3A_579] : memref<77618x384xf32, #tpu.memory_space<hbm>> -> memref<128x384xf32, #tpu.memory_space<hbm>>
    tpu.enqueue_dma source(%arg7 : memref<128x384xf32, #tpu.memory_space<vmem>>) target(%dma_start3A_580 : memref<128x384xf32, #tpu.memory_space<hbm>>) target_semaphore(%arg11 : memref<!tpu.dma_semaphore, #tpu.memory_space<semaphore_mem>>)
    %mul3A_581 = arith.constant 19 : i32
    %mul3A_582 = arith.muli %add3A, %mul3A_581 : i32
    %add3A_583 = arith.constant 13 : i32
    %add3A_584 = arith.addi %mul3A_582, %add3A_583 : i32
    %mul3A_585 = arith.constant 64 : i32
    %mul3A_586 = arith.muli %add3A_584, %mul3A_585 : i32
    %min3A_587 = arith.constant 38745 : i32
    %min3A_588 = arith.minsi %mul3A_586, %min3A_587 : i32
    %mul3A_589 = arith.constant 2 : i32
    %mul3A_590 = arith.muli %mul3A_589, %min3A_588 : i32
    %dma_wait3A_591 = arith.constant 0 : i32
    %dma_wait3A_592 = tpu.memref_slice %arg4[%mul3A_590, %dma_wait3A_591] : memref<77618x384xf32, #tpu.memory_space<hbm>> -> memref<128x384xf32, #tpu.memory_space<hbm>>
    %dma_wait3A_593 = arith.constant 0 : i32
    %dma_wait3A_594 = tpu.memref_slice %arg4[%mul3A_590, %dma_wait3A_593] : memref<77618x384xf32, #tpu.memory_space<hbm>> -> memref<128x384xf32, #tpu.memory_space<hbm>>
    tpu.wait_dma2 semaphore(%arg11 : memref<!tpu.dma_semaphore, #tpu.memory_space<semaphore_mem>>) src(%arg7 : memref<128x384xf32, #tpu.memory_space<vmem>>) dst(%dma_wait3A_594 : memref<128x384xf32, #tpu.memory_space<hbm>>)
    %dma_start3A_595 = arith.constant 15 : i32
    %dma_start3A_596 = arith.constant 0 : i32
    %dma_start3A_597 = tpu.memref_slice %arg5[%dma_start3A_595, %dma_start3A_596] : memref<19x128xi32, #tpu.memory_space<vmem>> -> memref<1x128xi32, #tpu.memory_space<vmem>>
    %dma_start3A_598 = tpu.memref_squeeze %dma_start3A_597 : memref<1x128xi32, #tpu.memory_space<vmem>> -> memref<128xi32, #tpu.memory_space<vmem>>
    %dma_start3A_599 = arith.constant 0 : i32
    %dma_start3A_600 = arith.constant 0 : i32
    %dma_start3A_601 = tpu.memref_slice %arg2[%dma_start3A_599, %dma_start3A_600] : memref<1792x384xf32, #tpu.memory_space<hbm>> -> memref<1792x384xf32, #tpu.memory_space<hbm>>
    tpu.enqueue_indirect_dma source(%dma_start3A_601 : memref<1792x384xf32, #tpu.memory_space<hbm>>) target(%arg7 : memref<128x384xf32, #tpu.memory_space<vmem>>) offsets(%dma_start3A_598 : memref<128xi32, #tpu.memory_space<vmem>>) semaphore(%arg9 : memref<!tpu.dma_semaphore, #tpu.memory_space<semaphore_mem>>)
    %dma_wait3A_602 = arith.constant 14 : i32
    %dma_wait3A_603 = arith.constant 0 : i32
    %dma_wait3A_604 = tpu.memref_slice %arg5[%dma_wait3A_602, %dma_wait3A_603] : memref<19x128xi32, #tpu.memory_space<vmem>> -> memref<1x128xi32, #tpu.memory_space<vmem>>
    %dma_wait3A_605 = tpu.memref_squeeze %dma_wait3A_604 : memref<1x128xi32, #tpu.memory_space<vmem>> -> memref<128xi32, #tpu.memory_space<vmem>>
    %dma_wait3A_606 = arith.constant 0 : i32
    %dma_wait3A_607 = arith.constant 0 : i32
    %dma_wait3A_608 = tpu.memref_slice %arg2[%dma_wait3A_606, %dma_wait3A_607] : memref<1792x384xf32, #tpu.memory_space<hbm>> -> memref<1792x384xf32, #tpu.memory_space<hbm>>
    tpu.wait_indirect_dma semaphore(%arg8 : memref<!tpu.dma_semaphore, #tpu.memory_space<semaphore_mem>>) src(%dma_wait3A_608 : memref<1792x384xf32, #tpu.memory_space<hbm>>) dst(%arg6 : memref<128x384xf32, #tpu.memory_space<vmem>>)
    %mul3A_609 = arith.constant 19 : i32
    %mul3A_610 = arith.muli %add3A, %mul3A_609 : i32
    %add3A_611 = arith.constant 14 : i32
    %add3A_612 = arith.addi %mul3A_610, %add3A_611 : i32
    %mul3A_613 = arith.constant 64 : i32
    %mul3A_614 = arith.muli %add3A_612, %mul3A_613 : i32
    %min3A_615 = arith.constant 38745 : i32
    %min3A_616 = arith.minsi %mul3A_614, %min3A_615 : i32
    %mul3A_617 = arith.constant 2 : i32
    %mul3A_618 = arith.muli %mul3A_617, %min3A_616 : i32
    %dma_start3A_619 = arith.constant 0 : i32
    %dma_start3A_620 = tpu.memref_slice %arg4[%mul3A_618, %dma_start3A_619] : memref<77618x384xf32, #tpu.memory_space<hbm>> -> memref<128x384xf32, #tpu.memory_space<hbm>>
    %dma_start3A_621 = arith.constant 0 : i32
    %dma_start3A_622 = tpu.memref_slice %arg4[%mul3A_618, %dma_start3A_621] : memref<77618x384xf32, #tpu.memory_space<hbm>> -> memref<128x384xf32, #tpu.memory_space<hbm>>
    tpu.enqueue_dma source(%arg6 : memref<128x384xf32, #tpu.memory_space<vmem>>) target(%dma_start3A_622 : memref<128x384xf32, #tpu.memory_space<hbm>>) target_semaphore(%arg10 : memref<!tpu.dma_semaphore, #tpu.memory_space<semaphore_mem>>)
    %mul3A_623 = arith.constant 19 : i32
    %mul3A_624 = arith.muli %add3A, %mul3A_623 : i32
    %add3A_625 = arith.constant 14 : i32
    %add3A_626 = arith.addi %mul3A_624, %add3A_625 : i32
    %mul3A_627 = arith.constant 64 : i32
    %mul3A_628 = arith.muli %add3A_626, %mul3A_627 : i32
    %min3A_629 = arith.constant 38745 : i32
    %min3A_630 = arith.minsi %mul3A_628, %min3A_629 : i32
    %mul3A_631 = arith.constant 2 : i32
    %mul3A_632 = arith.muli %mul3A_631, %min3A_630 : i32
    %dma_wait3A_633 = arith.constant 0 : i32
    %dma_wait3A_634 = tpu.memref_slice %arg4[%mul3A_632, %dma_wait3A_633] : memref<77618x384xf32, #tpu.memory_space<hbm>> -> memref<128x384xf32, #tpu.memory_space<hbm>>
    %dma_wait3A_635 = arith.constant 0 : i32
    %dma_wait3A_636 = tpu.memref_slice %arg4[%mul3A_632, %dma_wait3A_635] : memref<77618x384xf32, #tpu.memory_space<hbm>> -> memref<128x384xf32, #tpu.memory_space<hbm>>
    tpu.wait_dma2 semaphore(%arg10 : memref<!tpu.dma_semaphore, #tpu.memory_space<semaphore_mem>>) src(%arg6 : memref<128x384xf32, #tpu.memory_space<vmem>>) dst(%dma_wait3A_636 : memref<128x384xf32, #tpu.memory_space<hbm>>)
    %dma_start3A_637 = arith.constant 16 : i32
    %dma_start3A_638 = arith.constant 0 : i32
    %dma_start3A_639 = tpu.memref_slice %arg5[%dma_start3A_637, %dma_start3A_638] : memref<19x128xi32, #tpu.memory_space<vmem>> -> memref<1x128xi32, #tpu.memory_space<vmem>>
    %dma_start3A_640 = tpu.memref_squeeze %dma_start3A_639 : memref<1x128xi32, #tpu.memory_space<vmem>> -> memref<128xi32, #tpu.memory_space<vmem>>
    %dma_start3A_641 = arith.constant 0 : i32
    %dma_start3A_642 = arith.constant 0 : i32
    %dma_start3A_643 = tpu.memref_slice %arg2[%dma_start3A_641, %dma_start3A_642] : memref<1792x384xf32, #tpu.memory_space<hbm>> -> memref<1792x384xf32, #tpu.memory_space<hbm>>
    tpu.enqueue_indirect_dma source(%dma_start3A_643 : memref<1792x384xf32, #tpu.memory_space<hbm>>) target(%arg6 : memref<128x384xf32, #tpu.memory_space<vmem>>) offsets(%dma_start3A_640 : memref<128xi32, #tpu.memory_space<vmem>>) semaphore(%arg8 : memref<!tpu.dma_semaphore, #tpu.memory_space<semaphore_mem>>)
    %dma_wait3A_644 = arith.constant 15 : i32
    %dma_wait3A_645 = arith.constant 0 : i32
    %dma_wait3A_646 = tpu.memref_slice %arg5[%dma_wait3A_644, %dma_wait3A_645] : memref<19x128xi32, #tpu.memory_space<vmem>> -> memref<1x128xi32, #tpu.memory_space<vmem>>
    %dma_wait3A_647 = tpu.memref_squeeze %dma_wait3A_646 : memref<1x128xi32, #tpu.memory_space<vmem>> -> memref<128xi32, #tpu.memory_space<vmem>>
    %dma_wait3A_648 = arith.constant 0 : i32
    %dma_wait3A_649 = arith.constant 0 : i32
    %dma_wait3A_650 = tpu.memref_slice %arg2[%dma_wait3A_648, %dma_wait3A_649] : memref<1792x384xf32, #tpu.memory_space<hbm>> -> memref<1792x384xf32, #tpu.memory_space<hbm>>
    tpu.wait_indirect_dma semaphore(%arg9 : memref<!tpu.dma_semaphore, #tpu.memory_space<semaphore_mem>>) src(%dma_wait3A_650 : memref<1792x384xf32, #tpu.memory_space<hbm>>) dst(%arg7 : memref<128x384xf32, #tpu.memory_space<vmem>>)
    %mul3A_651 = arith.constant 19 : i32
    %mul3A_652 = arith.muli %add3A, %mul3A_651 : i32
    %add3A_653 = arith.constant 15 : i32
    %add3A_654 = arith.addi %mul3A_652, %add3A_653 : i32
    %mul3A_655 = arith.constant 64 : i32
    %mul3A_656 = arith.muli %add3A_654, %mul3A_655 : i32
    %min3A_657 = arith.constant 38745 : i32
    %min3A_658 = arith.minsi %mul3A_656, %min3A_657 : i32
    %mul3A_659 = arith.constant 2 : i32
    %mul3A_660 = arith.muli %mul3A_659, %min3A_658 : i32
    %dma_start3A_661 = arith.constant 0 : i32
    %dma_start3A_662 = tpu.memref_slice %arg4[%mul3A_660, %dma_start3A_661] : memref<77618x384xf32, #tpu.memory_space<hbm>> -> memref<128x384xf32, #tpu.memory_space<hbm>>
    %dma_start3A_663 = arith.constant 0 : i32
    %dma_start3A_664 = tpu.memref_slice %arg4[%mul3A_660, %dma_start3A_663] : memref<77618x384xf32, #tpu.memory_space<hbm>> -> memref<128x384xf32, #tpu.memory_space<hbm>>
    tpu.enqueue_dma source(%arg7 : memref<128x384xf32, #tpu.memory_space<vmem>>) target(%dma_start3A_664 : memref<128x384xf32, #tpu.memory_space<hbm>>) target_semaphore(%arg11 : memref<!tpu.dma_semaphore, #tpu.memory_space<semaphore_mem>>)
    %mul3A_665 = arith.constant 19 : i32
    %mul3A_666 = arith.muli %add3A, %mul3A_665 : i32
    %add3A_667 = arith.constant 15 : i32
    %add3A_668 = arith.addi %mul3A_666, %add3A_667 : i32
    %mul3A_669 = arith.constant 64 : i32
    %mul3A_670 = arith.muli %add3A_668, %mul3A_669 : i32
    %min3A_671 = arith.constant 38745 : i32
    %min3A_672 = arith.minsi %mul3A_670, %min3A_671 : i32
    %mul3A_673 = arith.constant 2 : i32
    %mul3A_674 = arith.muli %mul3A_673, %min3A_672 : i32
    %dma_wait3A_675 = arith.constant 0 : i32
    %dma_wait3A_676 = tpu.memref_slice %arg4[%mul3A_674, %dma_wait3A_675] : memref<77618x384xf32, #tpu.memory_space<hbm>> -> memref<128x384xf32, #tpu.memory_space<hbm>>
    %dma_wait3A_677 = arith.constant 0 : i32
    %dma_wait3A_678 = tpu.memref_slice %arg4[%mul3A_674, %dma_wait3A_677] : memref<77618x384xf32, #tpu.memory_space<hbm>> -> memref<128x384xf32, #tpu.memory_space<hbm>>
    tpu.wait_dma2 semaphore(%arg11 : memref<!tpu.dma_semaphore, #tpu.memory_space<semaphore_mem>>) src(%arg7 : memref<128x384xf32, #tpu.memory_space<vmem>>) dst(%dma_wait3A_678 : memref<128x384xf32, #tpu.memory_space<hbm>>)
    %dma_start3A_679 = arith.constant 17 : i32
    %dma_start3A_680 = arith.constant 0 : i32
    %dma_start3A_681 = tpu.memref_slice %arg5[%dma_start3A_679, %dma_start3A_680] : memref<19x128xi32, #tpu.memory_space<vmem>> -> memref<1x128xi32, #tpu.memory_space<vmem>>
    %dma_start3A_682 = tpu.memref_squeeze %dma_start3A_681 : memref<1x128xi32, #tpu.memory_space<vmem>> -> memref<128xi32, #tpu.memory_space<vmem>>
    %dma_start3A_683 = arith.constant 0 : i32
    %dma_start3A_684 = arith.constant 0 : i32
    %dma_start3A_685 = tpu.memref_slice %arg2[%dma_start3A_683, %dma_start3A_684] : memref<1792x384xf32, #tpu.memory_space<hbm>> -> memref<1792x384xf32, #tpu.memory_space<hbm>>
    tpu.enqueue_indirect_dma source(%dma_start3A_685 : memref<1792x384xf32, #tpu.memory_space<hbm>>) target(%arg7 : memref<128x384xf32, #tpu.memory_space<vmem>>) offsets(%dma_start3A_682 : memref<128xi32, #tpu.memory_space<vmem>>) semaphore(%arg9 : memref<!tpu.dma_semaphore, #tpu.memory_space<semaphore_mem>>)
    %dma_wait3A_686 = arith.constant 16 : i32
    %dma_wait3A_687 = arith.constant 0 : i32
    %dma_wait3A_688 = tpu.memref_slice %arg5[%dma_wait3A_686, %dma_wait3A_687] : memref<19x128xi32, #tpu.memory_space<vmem>> -> memref<1x128xi32, #tpu.memory_space<vmem>>
    %dma_wait3A_689 = tpu.memref_squeeze %dma_wait3A_688 : memref<1x128xi32, #tpu.memory_space<vmem>> -> memref<128xi32, #tpu.memory_space<vmem>>
    %dma_wait3A_690 = arith.constant 0 : i32
    %dma_wait3A_691 = arith.constant 0 : i32
    %dma_wait3A_692 = tpu.memref_slice %arg2[%dma_wait3A_690, %dma_wait3A_691] : memref<1792x384xf32, #tpu.memory_space<hbm>> -> memref<1792x384xf32, #tpu.memory_space<hbm>>
    tpu.wait_indirect_dma semaphore(%arg8 : memref<!tpu.dma_semaphore, #tpu.memory_space<semaphore_mem>>) src(%dma_wait3A_692 : memref<1792x384xf32, #tpu.memory_space<hbm>>) dst(%arg6 : memref<128x384xf32, #tpu.memory_space<vmem>>)
    %mul3A_693 = arith.constant 19 : i32
    %mul3A_694 = arith.muli %add3A, %mul3A_693 : i32
    %add3A_695 = arith.constant 16 : i32
    %add3A_696 = arith.addi %mul3A_694, %add3A_695 : i32
    %mul3A_697 = arith.constant 64 : i32
    %mul3A_698 = arith.muli %add3A_696, %mul3A_697 : i32
    %min3A_699 = arith.constant 38745 : i32
    %min3A_700 = arith.minsi %mul3A_698, %min3A_699 : i32
    %mul3A_701 = arith.constant 2 : i32
    %mul3A_702 = arith.muli %mul3A_701, %min3A_700 : i32
    %dma_start3A_703 = arith.constant 0 : i32
    %dma_start3A_704 = tpu.memref_slice %arg4[%mul3A_702, %dma_start3A_703] : memref<77618x384xf32, #tpu.memory_space<hbm>> -> memref<128x384xf32, #tpu.memory_space<hbm>>
    %dma_start3A_705 = arith.constant 0 : i32
    %dma_start3A_706 = tpu.memref_slice %arg4[%mul3A_702, %dma_start3A_705] : memref<77618x384xf32, #tpu.memory_space<hbm>> -> memref<128x384xf32, #tpu.memory_space<hbm>>
    tpu.enqueue_dma source(%arg6 : memref<128x384xf32, #tpu.memory_space<vmem>>) target(%dma_start3A_706 : memref<128x384xf32, #tpu.memory_space<hbm>>) target_semaphore(%arg10 : memref<!tpu.dma_semaphore, #tpu.memory_space<semaphore_mem>>)
    %mul3A_707 = arith.constant 19 : i32
    %mul3A_708 = arith.muli %add3A, %mul3A_707 : i32
    %add3A_709 = arith.constant 16 : i32
    %add3A_710 = arith.addi %mul3A_708, %add3A_709 : i32
    %mul3A_711 = arith.constant 64 : i32
    %mul3A_712 = arith.muli %add3A_710, %mul3A_711 : i32
    %min3A_713 = arith.constant 38745 : i32
    %min3A_714 = arith.minsi %mul3A_712, %min3A_713 : i32
    %mul3A_715 = arith.constant 2 : i32
    %mul3A_716 = arith.muli %mul3A_715, %min3A_714 : i32
    %dma_wait3A_717 = arith.constant 0 : i32
    %dma_wait3A_718 = tpu.memref_slice %arg4[%mul3A_716, %dma_wait3A_717] : memref<77618x384xf32, #tpu.memory_space<hbm>> -> memref<128x384xf32, #tpu.memory_space<hbm>>
    %dma_wait3A_719 = arith.constant 0 : i32
    %dma_wait3A_720 = tpu.memref_slice %arg4[%mul3A_716, %dma_wait3A_719] : memref<77618x384xf32, #tpu.memory_space<hbm>> -> memref<128x384xf32, #tpu.memory_space<hbm>>
    tpu.wait_dma2 semaphore(%arg10 : memref<!tpu.dma_semaphore, #tpu.memory_space<semaphore_mem>>) src(%arg6 : memref<128x384xf32, #tpu.memory_space<vmem>>) dst(%dma_wait3A_720 : memref<128x384xf32, #tpu.memory_space<hbm>>)
    %dma_start3A_721 = arith.constant 18 : i32
    %dma_start3A_722 = arith.constant 0 : i32
    %dma_start3A_723 = tpu.memref_slice %arg5[%dma_start3A_721, %dma_start3A_722] : memref<19x128xi32, #tpu.memory_space<vmem>> -> memref<1x128xi32, #tpu.memory_space<vmem>>
    %dma_start3A_724 = tpu.memref_squeeze %dma_start3A_723 : memref<1x128xi32, #tpu.memory_space<vmem>> -> memref<128xi32, #tpu.memory_space<vmem>>
    %dma_start3A_725 = arith.constant 0 : i32
    %dma_start3A_726 = arith.constant 0 : i32
    %dma_start3A_727 = tpu.memref_slice %arg2[%dma_start3A_725, %dma_start3A_726] : memref<1792x384xf32, #tpu.memory_space<hbm>> -> memref<1792x384xf32, #tpu.memory_space<hbm>>
    tpu.enqueue_indirect_dma source(%dma_start3A_727 : memref<1792x384xf32, #tpu.memory_space<hbm>>) target(%arg6 : memref<128x384xf32, #tpu.memory_space<vmem>>) offsets(%dma_start3A_724 : memref<128xi32, #tpu.memory_space<vmem>>) semaphore(%arg8 : memref<!tpu.dma_semaphore, #tpu.memory_space<semaphore_mem>>)
    %dma_wait3A_728 = arith.constant 17 : i32
    %dma_wait3A_729 = arith.constant 0 : i32
    %dma_wait3A_730 = tpu.memref_slice %arg5[%dma_wait3A_728, %dma_wait3A_729] : memref<19x128xi32, #tpu.memory_space<vmem>> -> memref<1x128xi32, #tpu.memory_space<vmem>>
    %dma_wait3A_731 = tpu.memref_squeeze %dma_wait3A_730 : memref<1x128xi32, #tpu.memory_space<vmem>> -> memref<128xi32, #tpu.memory_space<vmem>>
    %dma_wait3A_732 = arith.constant 0 : i32
    %dma_wait3A_733 = arith.constant 0 : i32
    %dma_wait3A_734 = tpu.memref_slice %arg2[%dma_wait3A_732, %dma_wait3A_733] : memref<1792x384xf32, #tpu.memory_space<hbm>> -> memref<1792x384xf32, #tpu.memory_space<hbm>>
    tpu.wait_indirect_dma semaphore(%arg9 : memref<!tpu.dma_semaphore, #tpu.memory_space<semaphore_mem>>) src(%dma_wait3A_734 : memref<1792x384xf32, #tpu.memory_space<hbm>>) dst(%arg7 : memref<128x384xf32, #tpu.memory_space<vmem>>)
    %mul3A_735 = arith.constant 19 : i32
    %mul3A_736 = arith.muli %add3A, %mul3A_735 : i32
    %add3A_737 = arith.constant 17 : i32
    %add3A_738 = arith.addi %mul3A_736, %add3A_737 : i32
    %mul3A_739 = arith.constant 64 : i32
    %mul3A_740 = arith.muli %add3A_738, %mul3A_739 : i32
    %min3A_741 = arith.constant 38745 : i32
    %min3A_742 = arith.minsi %mul3A_740, %min3A_741 : i32
    %mul3A_743 = arith.constant 2 : i32
    %mul3A_744 = arith.muli %mul3A_743, %min3A_742 : i32
    %dma_start3A_745 = arith.constant 0 : i32
    %dma_start3A_746 = tpu.memref_slice %arg4[%mul3A_744, %dma_start3A_745] : memref<77618x384xf32, #tpu.memory_space<hbm>> -> memref<128x384xf32, #tpu.memory_space<hbm>>
    %dma_start3A_747 = arith.constant 0 : i32
    %dma_start3A_748 = tpu.memref_slice %arg4[%mul3A_744, %dma_start3A_747] : memref<77618x384xf32, #tpu.memory_space<hbm>> -> memref<128x384xf32, #tpu.memory_space<hbm>>
    tpu.enqueue_dma source(%arg7 : memref<128x384xf32, #tpu.memory_space<vmem>>) target(%dma_start3A_748 : memref<128x384xf32, #tpu.memory_space<hbm>>) target_semaphore(%arg11 : memref<!tpu.dma_semaphore, #tpu.memory_space<semaphore_mem>>)
    %mul3A_749 = arith.constant 19 : i32
    %mul3A_750 = arith.muli %add3A, %mul3A_749 : i32
    %add3A_751 = arith.constant 17 : i32
    %add3A_752 = arith.addi %mul3A_750, %add3A_751 : i32
    %mul3A_753 = arith.constant 64 : i32
    %mul3A_754 = arith.muli %add3A_752, %mul3A_753 : i32
    %min3A_755 = arith.constant 38745 : i32
    %min3A_756 = arith.minsi %mul3A_754, %min3A_755 : i32
    %mul3A_757 = arith.constant 2 : i32
    %mul3A_758 = arith.muli %mul3A_757, %min3A_756 : i32
    %dma_wait3A_759 = arith.constant 0 : i32
    %dma_wait3A_760 = tpu.memref_slice %arg4[%mul3A_758, %dma_wait3A_759] : memref<77618x384xf32, #tpu.memory_space<hbm>> -> memref<128x384xf32, #tpu.memory_space<hbm>>
    %dma_wait3A_761 = arith.constant 0 : i32
    %dma_wait3A_762 = tpu.memref_slice %arg4[%mul3A_758, %dma_wait3A_761] : memref<77618x384xf32, #tpu.memory_space<hbm>> -> memref<128x384xf32, #tpu.memory_space<hbm>>
    tpu.wait_dma2 semaphore(%arg11 : memref<!tpu.dma_semaphore, #tpu.memory_space<semaphore_mem>>) src(%arg7 : memref<128x384xf32, #tpu.memory_space<vmem>>) dst(%dma_wait3A_762 : memref<128x384xf32, #tpu.memory_space<hbm>>)
    %dma_wait3A_763 = arith.constant 18 : i32
    %dma_wait3A_764 = arith.constant 0 : i32
    %dma_wait3A_765 = tpu.memref_slice %arg5[%dma_wait3A_763, %dma_wait3A_764] : memref<19x128xi32, #tpu.memory_space<vmem>> -> memref<1x128xi32, #tpu.memory_space<vmem>>
    %dma_wait3A_766 = tpu.memref_squeeze %dma_wait3A_765 : memref<1x128xi32, #tpu.memory_space<vmem>> -> memref<128xi32, #tpu.memory_space<vmem>>
    %dma_wait3A_767 = arith.constant 0 : i32
    %dma_wait3A_768 = arith.constant 0 : i32
    %dma_wait3A_769 = tpu.memref_slice %arg2[%dma_wait3A_767, %dma_wait3A_768] : memref<1792x384xf32, #tpu.memory_space<hbm>> -> memref<1792x384xf32, #tpu.memory_space<hbm>>
    tpu.wait_indirect_dma semaphore(%arg8 : memref<!tpu.dma_semaphore, #tpu.memory_space<semaphore_mem>>) src(%dma_wait3A_769 : memref<1792x384xf32, #tpu.memory_space<hbm>>) dst(%arg6 : memref<128x384xf32, #tpu.memory_space<vmem>>)
    %mul3A_770 = arith.constant 19 : i32
    %mul3A_771 = arith.muli %add3A, %mul3A_770 : i32
    %add3A_772 = arith.constant 18 : i32
    %add3A_773 = arith.addi %mul3A_771, %add3A_772 : i32
    %mul3A_774 = arith.constant 64 : i32
    %mul3A_775 = arith.muli %add3A_773, %mul3A_774 : i32
    %min3A_776 = arith.constant 38745 : i32
    %min3A_777 = arith.minsi %mul3A_775, %min3A_776 : i32
    %mul3A_778 = arith.constant 2 : i32
    %mul3A_779 = arith.muli %mul3A_778, %min3A_777 : i32
    %dma_start3A_780 = arith.constant 0 : i32
    %dma_start3A_781 = tpu.memref_slice %arg4[%mul3A_779, %dma_start3A_780] : memref<77618x384xf32, #tpu.memory_space<hbm>> -> memref<128x384xf32, #tpu.memory_space<hbm>>
    %dma_start3A_782 = arith.constant 0 : i32
    %dma_start3A_783 = tpu.memref_slice %arg4[%mul3A_779, %dma_start3A_782] : memref<77618x384xf32, #tpu.memory_space<hbm>> -> memref<128x384xf32, #tpu.memory_space<hbm>>
    tpu.enqueue_dma source(%arg6 : memref<128x384xf32, #tpu.memory_space<vmem>>) target(%dma_start3A_783 : memref<128x384xf32, #tpu.memory_space<hbm>>) target_semaphore(%arg10 : memref<!tpu.dma_semaphore, #tpu.memory_space<semaphore_mem>>)
    %mul3A_784 = arith.constant 19 : i32
    %mul3A_785 = arith.muli %add3A, %mul3A_784 : i32
    %add3A_786 = arith.constant 18 : i32
    %add3A_787 = arith.addi %mul3A_785, %add3A_786 : i32
    %mul3A_788 = arith.constant 64 : i32
    %mul3A_789 = arith.muli %add3A_787, %mul3A_788 : i32
    %min3A_790 = arith.constant 38745 : i32
    %min3A_791 = arith.minsi %mul3A_789, %min3A_790 : i32
    %mul3A_792 = arith.constant 2 : i32
    %mul3A_793 = arith.muli %mul3A_792, %min3A_791 : i32
    %dma_wait3A_794 = arith.constant 0 : i32
    %dma_wait3A_795 = tpu.memref_slice %arg4[%mul3A_793, %dma_wait3A_794] : memref<77618x384xf32, #tpu.memory_space<hbm>> -> memref<128x384xf32, #tpu.memory_space<hbm>>
    %dma_wait3A_796 = arith.constant 0 : i32
    %dma_wait3A_797 = tpu.memref_slice %arg4[%mul3A_793, %dma_wait3A_796] : memref<77618x384xf32, #tpu.memory_space<hbm>> -> memref<128x384xf32, #tpu.memory_space<hbm>>
    tpu.wait_dma2 semaphore(%arg10 : memref<!tpu.dma_semaphore, #tpu.memory_space<semaphore_mem>>) src(%arg6 : memref<128x384xf32, #tpu.memory_space<vmem>>) dst(%dma_wait3A_797 : memref<128x384xf32, #tpu.memory_space<hbm>>)
    return
  }
}

</mosaic_0001>

<sc_bundles>
// kernel: gather_offload_async_start
scs
__scs_entry_jumppad:
0x0: {  	(pc) =	sbr.rel $0x88, $3  }
0x1: {  	(tag) =	ssettag $0x0;
	lr =	simm.s32 $0x1  }
0x2: {  	[smem:$0x3F9D] =	sst lr;
	_ =	strace $0xD0000000  }
0x3: {  	_ = 	snop  }
0x4: {  	_ = 	snop  }
0x5: {  	_ = 	snop  }
0x6: {  	_ = 	snop  }
0x7: {  	_ = 	snop  }
__scs_overlays_trampoline_lowered:
0x8: {  	[smem:$0x3FAC] =	sst s0  }
0x9: {  	[smem:$0x3FAD] =	sst s1  }
0xa: {  	[smem:$0x3FAE] =	sst s2  }
0xb: {  	[smem:$0x3FAF] =	sst s3  }
0xc: {  	[smem:$0x3FB0] =	sst s4  }
0xd: {  	[smem:$0x3FB1] =	sst s5  }
0xe: {  	[smem:$0x3FB2] =	sst s6  }
0xf: {  	[smem:$0x3FB3] =	sst s7  }
0x10: {  	[smem:$0x3FB4] =	sst s8  }
0x11: {  	[smem:$0x3FB5] =	sst s9;
	s0 =	simm.s32 @!p0 $0x0  }
0x12: {  	s1 =	sld [smem:$0x3F9B];
	s0 =	simm.s32 @p0 $0x1  }
0x13: {  	[smem:$0x3FB6] =	sst s0;
	s0 =	simm.s32 @!p1 $0x0  }
0x14: {  	s2 =	sld [smem:$0x3F9A];
	s0 =	simm.s32 @p1 $0x1  }
0x15: {  	[smem:$0x3FB7] =	sst s0;
	s0 =	simm.s32 @!p2 $0x0  }
0x16: {  	s3 =	sld [smem:$0x3FDB];
	s0 =	simm.s32 @p2 $0x1  }
0x17: {  	s4 =	simm.s32 $0x1BF5;
	[smem:$0x3FB9] =	sst s0  }
0x18: {  	s0 =	sld [smem:$0x3F9C];
	_ =	swait.ge [sflag:s4], $0x0  }
0x19: {  	s7 =	sld [smem:$0x3F9D]  }
0x1a: {  	s8 =	sadd.s32 $0xFFFFE003, lr  }
0x1b: {  	s9 =	sadd.s32 $0xFFFFFEF7, lr;
	s5 =	simm.s32 $0xFFFFFFFF;
	p2 =	slt.u32 s8, $0xFFFFF086  }
0x1c: {  	p1 =	slt.u32 s9, $0xF7A;
	s5 =	simm.s32 @!p2 $0x0  }
0x1d: {  	s5 =	simm.s32 @p1 $0x1;
	p0 =	seq.s32 s7, s2  }
0x1e: {  	s7 =	smul.u32 @!p0 $0xF7A, s2;
	p2 =	seq.s32 @!p0 s5, $0x0  }
0x1f: {  	s9 =	smul.u32 $0xF7A, s1;
	s8 =	simm.s32 @!p0 $0x1BF5;
	p2 =	por !p2, p0  }
0x20: {  	[sflag:s8] =	ssyncset.s32 @!p0 $0xFFFFF086;
	s6 =	sadd.s32 @!p0 s3, s7;
	s7 =	simm.s32 @!p0 $0x108  }
0x21: {  	s3 =	sadd.s32 s3, s9;
	s6 =	sadd.s32 @!p0 $0x88, s6;
	s7 =	simm.s32 @p2 $0x1082  }
0x22: {  	[simem:s7], [sflag:s8] =	dma.local @!p0 [hbm:s6], $0xF7A  }
0x23: {  	s9 =	sor.u32 $0xD0000000, s2;
	s6 =	simm.s32 $0x108;
	_ =	swait.ge @!p0 [sflag:s8], $0x0  }
0x24: {  	s3 =	sadd.s32 $0x88, s3;
	s6 =	simm.s32 @!p1 $0x1082;
	[sflag:s4] =	ssyncset.s32 $0xFFFFF086  }
0x25: {  	[simem:s6], [sflag:s4] =	dma.local [hbm:s3], $0xF7A  }
0x26: {  	[smem:$0x3F9D] =	sst s1;
	(tag) =	ssettag s2;
	_ =	strace s9  }
0x27: {  	s1 =	sld [smem:$0x3FAD]  }
0x28: {  	s2 =	sld [smem:$0x3FAE]  }
0x29: {  	s4 =	sld [smem:$0x3FB0]  }
0x2a: {  	p0 =	seq.s32 s5, $0x0;
	s5 =	sld [smem:$0x3FB1]  }
0x2b: {  	s6 =	sld [smem:$0x3FB2]  }
0x2c: {  	s7 =	sld [smem:$0x3FB3]  }
0x2d: {  	s3 =	simm.s32 $0x108;
	s8 =	sld [smem:$0x3FB4]  }
0x2e: {  	s3 =	simm.s32 @!p0 $0x1082;
	s9 =	sld [smem:$0x3FB5]  }
0x2f: {  	lr =	sadd.s32 s0, s3;
	s0 =	sld [smem:$0x3FAC]  }
0x30: {  	s3 =	sld [smem:$0x3FAF]  }
0x31: {  	[smem:$0x3FB8] =	sst s10  }
0x32: {  	s10 =	sld [smem:$0x3FB6];
	_ =	sdelay $0x3  }
0x33: {  	p0 =	seq.s32 s10, $0x1;
	s10 =	sld [smem:$0x3FB8];
	_ =	sdelay $0x3  }
0x34: {  	[smem:$0x3FB8] =	sst s10  }
0x35: {  	s10 =	sld [smem:$0x3FB7];
	_ =	sdelay $0x3  }
0x36: {  	p1 =	seq.s32 s10, $0x1;
	s10 =	sld [smem:$0x3FB8];
	_ =	sdelay $0x3  }
0x37: {  	[smem:$0x3FB8] =	sst s10  }
0x38: {  	s10 =	sld [smem:$0x3FB9]  }
0x39: {  	_ = 	snop;
	(pc) =	sbr.ind lr, $3  }
0x3a: {  	_ = 	snop  }
0x3b: {  	_ = 	snop  }
0x3c: {  	p2 =	seq.s32 s10, $0x1;
	s10 =	sld [smem:$0x3FB8]  }
0x3d: {  	_ =	shalt  }
0x3e: {  	_ =	shalt  }
0x3f: {  	_ =	shalt  }
0x40: {  	_ =	shalt  }
0x41: {  	_ =	shalt  }
0x42: {  	_ =	shalt  }
0x43: {  	_ =	shalt  }
0x44: {  	_ =	shalt  }
0x45: {  	_ =	shalt  }
0x46: {  	_ =	shalt  }
0x47: {  	_ =	shalt  }
0x48: {  	_ =	shalt  }
0x49: {  	_ =	shalt  }
0x4a: {  	_ =	shalt  }
0x4b: {  	_ =	shalt  }
0x4c: {  	_ =	shalt  }
0x4d: {  	_ =	shalt  }
0x4e: {  	_ =	shalt  }
0x4f: {  	_ =	shalt  }
0x50: {  	_ =	shalt  }
0x51: {  	_ =	shalt  }
0x52: {  	_ =	shalt  }
0x53: {  	_ =	shalt  }
0x54: {  	_ =	shalt  }
0x55: {  	_ =	shalt  }
0x56: {  	_ =	shalt  }
0x57: {  	_ =	shalt  }
0x58: {  	_ =	shalt  }
0x59: {  	_ =	shalt  }
0x5a: {  	_ =	shalt  }
0x5b: {  	_ =	shalt  }
0x5c: {  	_ =	shalt  }
0x5d: {  	_ =	shalt  }
0x5e: {  	_ =	shalt  }
0x5f: {  	_ =	shalt  }
0x60: {  	_ =	shalt  }
0x61: {  	_ =	shalt  }
0x62: {  	_ =	shalt  }
0x63: {  	_ =	shalt  }
0x64: {  	_ =	shalt  }
0x65: {  	_ =	shalt  }
0x66: {  	_ =	shalt  }
0x67: {  	_ =	shalt  }
0x68: {  	_ =	shalt  }
0x69: {  	_ =	shalt  }
0x6a: {  	_ =	shalt  }
0x6b: {  	_ =	shalt  }
0x6c: {  	_ =	shalt  }
0x6d: {  	_ =	shalt  }
0x6e: {  	_ =	shalt  }
0x6f: {  	_ =	shalt  }
0x70: {  	_ =	shalt  }
0x71: {  	_ =	shalt  }
0x72: {  	_ =	shalt  }
0x73: {  	_ =	shalt  }
0x74: {  	_ =	shalt  }
0x75: {  	_ =	shalt  }
0x76: {  	_ =	shalt  }
0x77: {  	_ =	shalt  }
0x78: {  	_ =	shalt  }
0x79: {  	_ =	shalt  }
0x7a: {  	_ =	shalt  }
0x7b: {  	_ =	shalt  }
0x7c: {  	_ =	shalt  }
0x7d: {  	_ =	shalt  }
0x7e: {  	_ =	shalt  }
0x7f: {  	_ =	shalt  }
0x80: {  	_ =	shalt  }
0x81: {  	_ =	shalt  }
0x82: {  	_ =	shalt  }
0x83: {  	_ =	shalt  }
0x84: {  	_ =	shalt  }
0x85: {  	_ =	shalt  }
0x86: {  	_ =	shalt  }
0x87: {  	_ =	shalt  }
.Lfunc_end0:
.L_simem_size_0:
called_computation_lowered:
.L_overlay_start_0:
0x88: {  	s2 =	sld [smem:$0x3FD9]  }
0x89: {  	s3 =	sld [smem:$0x3FFE];
	_ =	sdelay $0x1  }
0x8a: {  	s1 =	srdreg.scid  }
0x8b: {  	s0 =	sand.u32 $0x1, s1  }
0x8c: {  	s16 =	sshll.u32 s0, $0xA;
	s2 =	sadd.s32 s3, s2  }
0x8d: {  	s2 =	sadd.s32 s2, s16  }
0x8e: {  	[smem:$0x3FC4] =	sst s2  }
0x8f: {  	_ = 	snop  }
0x90: {  	(tm) =	ssettm $0x1  }
0x91: {  	s17 =	sld [smem:$0x3FFB];
	_ =	sdelay $0x3  }
0x92: {  	_ =	strace s17  }
0x93: {  	s2 =	sld [smem:$0x3FFC];
	_ =	sdelay $0x3  }
0x94: {  	_ =	strace s2  }
0x95: {  	s2 =	sld [smem:$0x3FFD];
	_ =	sdelay $0x3  }
0x96: {  	_ =	strace s2  }
0x97: {  	_ =	strace $0x8FFFFFFF  }
0x98: {  	s18 =	sld [smem:$0x3FDB];
	_ =	sdelay $0x1  }
0x99: {  	s19 =	simm.s32 $_scs_section_size  }
0x9a: {  	s4 =	simm.s32 $_size__tile_overlayer_lowered;
	s5 =	simm.s32 $_tile_overlayer_lowered  }
0x9b: {  	s22 =	simm.s32 $0x1BFF;
	s21 =	sshll.u32 s5, $0x1;
	s2 =	sadd.s32 s19, s18  }
0x9c: {  	s6 =	simm.s32 $0x0;
	s20 =	sshll.u32 s4, $0x1;
	s4 =	sadd.s32 s21, s2  }
0x9d: {  	[timem:s6], [sflag:s22] =	dma.local [hbm:s4], s20  }
0x9e: {  	_ =	swait.ge [sflag:s22], s20  }
0x9f: {  	s3 =	ssub.s32 $0x0, s20;
	[sflag:s22] =	ssyncset.done $0x0  }
0xa0: {  	[sflag:s22] =	ssyncadd.s32 s3;
	_ =	sdelay $0x1  }
0xa1: {  	s23 =	simm.s32 $0x1B8B  }
0xa2: {  	_ =	swait.ge [sflag:s23], $0x1  }
0xa3: {  	[sflag:s23] =	ssyncset.done $0x0  }
0xa4: {  	s25 =	simm.s32 $0x1B8E;
	s24 =	sld [smem:$0x3FFE];
	[sflag:s23] =	ssyncadd.s32 $0xFFFFFFFF  }
0xa5: {  	s26 =	simm.s32 $execute0_lowered;
	[smem:$0x3FD2] =	sst s25  }
0xa6: {  	s4 =	sshll.u32 s26, $0x1;
	_ =	strace $0x80000046;
	[dreg:$0x1] =	wrdreg $0xFFFFFFFF  }
0xa7: {  	s28 =	simm.s32 $_size_execute0_lowered;
	s2 =	sadd.s32 s2, s4;
	[dreg:$0x0] =	wrdreg $0x0  }
0xa8: {  	s4 =	sshll.u32 s28, $0x1;
	[dreg:$0x2] =	wrdreg s2  }
0xa9: {  	[dreg:$0x3] =	wrdreg s4  }
0xaa: {  	[dreg:$0x4] =	wrdreg $0xC0  }
0xab: {  	_ =	task [dreg:s6], $0x5FFFF  }
0xac: {  	[dreg:$0x1] =	wrdreg $0xFFFFFFFF  }
0xad: {  	[dreg:$0x0] =	wrdreg $0x60  }
0xae: {  	[dreg:$0x2] =	wrdreg s24  }
0xaf: {  	[dreg:$0x3] =	wrdreg $0x9  }
0xb0: {  	_ =	task.clear_ibuf [dreg:s6], $0x4FFFF;
	_ =	strace $0x90000046  }
0xb1: {  	s29 =	simm.s32 $0x9;
	_ =	strace $0x80000048  }
0xb2: {  	_ =	swait.ge [sflag:s29], $0x1  }
0xb3: {  	[sflag:s29] =	ssyncadd.s32 $0xFFFFFFFF  }
0xb4: {  	_ =	strace $0x90000048  }
0xb5: {  	_ =	sfence  }
0xb6: {  	s30 =	sld [smem:$0x0];
	_ =	sdelay $0x2  }
0xb7: {  	s31 =	sshll.u32 s1, $0xD;
	s1 =	sshrl.u32 s1, $0x2  }
0xb8: {  	s3 =	sand.u32 $0x4000, s31;
	s1 =	sadd.s32 s1, s30  }
0xb9: {  	s0 =	sor.u32 s3, s0;
	s1 =	sshll.u32 s1, $0x11  }
0xba: {  	s0 =	sor.u32 s1, s0  }
0xbb: {  	s0 =	sadd.s32 $0x8F2B, s0  }
0xbc: {  	[sflag:s0] =	ssyncadd.remote.s32 $0x1  }
0xbd: {  	_ =	sfence.sel $0xFFFF  }
0xbe: {  	[dreg:$0x0] =	wrdreg $0xFFFFFFFF;
	(pc) =	sbr.abs _section_cstart, $3  }
0xbf: {  	[dreg:$0x1] =	wrdreg $0xFFFFFFFF  }
0xc0: {  	_ =	task.clear_ibuf [dreg:s6], $0x2FFFF;
	_ =	strace $0x9FFFFFFF  }
0xc1: {  	(tm) =	ssettm $0x7FFFFFFF  }
tec
execute0_lowered:
.L_overlay_start_1:
0x0: {  	(tag) =	ssettag $0x1  }
0x1: {  	s0 =	srdreg.scid;
	s5 =	rddreg [dreg:$0x0]  }
0x2: {  	s1 =	stileid.u32;
	s6 =	simm.s32 $0x1;
	s9 =	simm.s32 $0x1  }
0x3: {  	s10 =	simm.s32 $0x3;
	s13 =	simm.s32 $0x0;
	s2 =	sshll.u32 s0, $0xB  }
0x4: {  	s12 =	simm.s32 $0x0;
	s3 =	sshll.u32 s1, $0xC;
	s2 =	sand.u32 $0x800, s2  }
0x5: {  	s0 =	rddreg [dreg:$0x1];
	_ =	strace $0x80000047;
	s2 =	sor.u32 s3, s2  }
0x6: {  	s4 =	sadd.s32 $0x1000, s5;
	[sflag:s6] =	ssyncpa.u1 $0x0;
	s8 =	ssub.s32 $0x13000, s2  }
.Ltmp0:
0x7: {  	s3 =	sadd.s32 $0x3600, s5;
	s7 =	sand.u32 $0xF800, s8;
	(pc) =	sbr.rel .LBB2_1-.Ltmp0, $4  }
0x8: {  	s5 =	sadd.s32 $0x5C00, s5;
	s11 =	smov.u32 s2;
	p0 =	sne.s32 s7, $0x0  }
0x9: {  	s8 =	sshrl.u32 s8, $0x10;
	s7 =	simm.s32 $0x2;
	s9 =	simm.s32 @!p0 $0x0  }
0xa: {  	[sflag:s7] =	ssyncpa.u1 $0x0;
	p0 =	por $0x0, $0x0;
	s8 =	sadd.s32 s9, s8  }
0xb: {  	vm0 =	vmmov $0xffff;
	[sflag:s10] =	ssyncpa.u1 $0x0;
	s10 =	simm.s32 $0x0;
	s9 =	sadd.s32 $0x1, s8  }
.LBB2_4:
0xc: {  	v2 =	vnsel vm1, $0x0, v2  }
0xd: {  	vm1 =	vgt.s32 v0, $0x0;
	v2 =	vmin.u32 v2, $0x12F31  }
0xe: {  	v0 =	vnsel vm1, $0x0, v0  }
0xf: {  	v0 =	vmin.u32 v0, $0x12F31  }
0x10: {  	[tilespmem:s15], [sflag:$0x1] =	stream.indirect_vreg.gather [hbm4b:s3+s10], $0x1, v1, vm0, $0x4038;
	[tilespmem:$0x2000] =	vst v63  }
0x11: {  	(ifvalue) =	ssetifvalue $0x7FFFFFFF  }
0x12: {  	[tilespmem:s16], [sflag:$0x1] =	stream.indirect_vreg.gather [hbm4b:s3+s10], $0x1, v2, vm0, $0x4038;
	[tilespmem:$0x2000] =	vst v63  }
0x13: {  	s29 =	sadd.s32 $0x10, s16;
	(ifvalue) =	ssetifvalue $0x7FFFFFFF  }
0x14: {  	[tilespmem:s29], [sflag:$0x1] =	stream.indirect_vreg.gather [hbm4b:s3+s10], $0x1, v0, vm0, $0x4038;
	[tilespmem:$0x2000] =	vst v63  }
0x15: {  	_ =	swait.ge [sflag:s6], $0x800  }
0x16: {  	s30 =	sshrl.u32 s13, $0x3;
	[sflag:s6] =	ssyncset.done $0x0  }
0x17: {  	s31 =	sand.u32 $0x7, s13;
	s15 =	sadd.s32 s5, s30;
	[sflag:s6] =	ssyncadd.s32 $0xFFFFF800  }
0x18: {  	[hbm4b:s15+s31] =	stream.linear.scatter [tilespmem:s14], [sflag:$0x3], $0x800, $0x38;
	[tilespmem:$0x2000] =	vst v63  }
.LBB2_5:
0x19: {  	s15 =	sadd.s32 $0x10000, s11  }
0x1a: {  	p2 =	sgt.s32 s15, $0x12FFF  }
0x1b: {  	s15 =	smov.u32 @p2 s2;
	p2 =	sne.s32 s12, s9  }
.Ltmp1:
0x1c: {  	p1 =	slt.u32 s12, $0x2;
	(pc) =	sbr.rel @!p2 .LBB2_6-.Ltmp1, $4  }
0x1d: {  	s14 =	simm.s32 @!p1 $0x3  }
0x1e: {  	s16 =	sadd.s32 $0x1, s12;
	_ =	swait.ge @!p1 [sflag:s14], $0x800  }
0x1f: {  	s13 =	smov.u32 s11;
	p0 =	por !p0, !p0;
	[sflag:s14] =	ssyncset.done @!p1 $0x0  }
0x20: {  	s12 =	smov.u32 s16;
	s11 =	smov.u32 s15;
	[sflag:s14] =	ssyncadd.s32 @!p1 $0xFFFFF800  }
.LBB2_1:
0x21: {  	p1 =	sge.u32 s12, s8  }
0x22: {  	s14 =	sxor.u32 @!p1 $0xFFFFFFFF, s12  }
0x23: {  	s31 =	sadd.s32 $0xFFFFFFFF, s12;
	s15 =	sshrl.u32 @!p1 s11, $0x3;
	s14 =	sshll.u32 @!p1 s14, $0xB  }
0x24: {  	s16 =	sand.u32 @!p1 $0x7, s11;
	s15 =	sadd.s32 @!p1 s4, s15;
	s14 =	sand.u32 @!p1 $0x800, s14  }
0x25: {  	[tilespmem:s14], [sflag:$0x2] =	stream.linear.gather @!p1 [hbm4b:s15+s16], $0x800, $0x38;
	[tilespmem:$0x2000] =	vst v63  }
0x26: {  	p1 =	sge.u32 s31, s8  }
.Ltmp2:
0x27: {  	_ = 	snop;
	(pc) =	sbr.rel @p1 .LBB2_5-.Ltmp2, $1  }
0x28: {  	_ =	sdelay $0x3  }
0x29: {  	s14 =	simm.s32 $0x1  }
0x2a: {  	_ =	swait.ge [sflag:s7], $0x800;
	s14 =	simm.s32 @!p0 $0x0  }
0x2b: {  	[sflag:s7] =	ssyncset.done $0x0;
	s14 =	sshll.u32 s14, $0xB  }
0x2c: {  	[sflag:s7] =	ssyncadd.s32 $0xFFFFF800;
	(ifvalue) =	ssetifvalue $0x7FFFFFFF;
	v0 =	vld.msk [tilespmem:s14+$0x0 ss:$0x1], $0xffff;
	_ =	sdelay $0x4  }
0x2d: {  	s15 =	sadd.s32 $0x10, s14;
	vm1 =	vgt.s32 v0, $0x0  }
0x2e: {  	v2 =	vld.msk [tilespmem:s15+$0x0 ss:$0x1], $0xffff;
	v1 =	vnsel vm1, $0x0, v0  }
0x2f: {  	v1 =	vmin.u32 v1, $0x12F31;
	_ =	sdelay $0x1  }
0x30: {  	s16 =	sshll.u32 s12, $0xB;
	s18 =	simm.s32 $0x20  }
0x31: {  	s16 =	sand.u32 $0x800, s16;
	s17 =	sadd.s32 $0x10, s15;
	s15 =	sor.u32 $0x1000, s14  }
0x32: {  	s14 =	sor.u32 $0x1000, s16;
	s16 =	sadd.s32 $0x10, s15;
	v0 =	vld.msk [tilespmem:s17+$0x0 ss:$0x1], $0xffff;
	vm1 =	vgt.s32 v2, $0x0;
	(ifvalue) =	ssetifvalue $0x7FFFFFFF  }
.LBB2_3:
0x33: {  	[tilespmem:s15], [sflag:$0x1] =	stream.indirect_vreg.gather [hbm4b:s3+s10], $0x1, v1, vm0, $0x4038;
	[tilespmem:$0x2000] =	vst v63  }
0x34: {  	s18 =	sadd.s32 $0x10, s18  }
0x35: {  	v2 =	vnsel vm1, $0x0, v2;
	p1 =	slt.u32 s18, $0x7F0  }
.Ltmp3:
0x36: {  	s15 =	smov.u32 s16;
	v1 =	vmin.u32 v2, $0x12F31;
	(pc) =	sbr.rel @p1 .LBB2_3-.Ltmp3, $3  }
0x37: {  	_ =	sdelay $0x1  }
0x38: {  	s17 =	sadd.s32 $0x10, s17  }
0x39: {  	vm1 =	vgt.s32 v0, $0x0;
	s16 =	sadd.s32 $0x10, s16;
	v2 =	vmov v0;
	(ifvalue) =	ssetifvalue $0x7FFFFFFF;
	v0 =	vld.msk [tilespmem:s17+$0x0 ss:$0x1], $0xffff  }
.Ltmp4:
0x3a: {  	_ = 	snop;
	(pc) =	sbr.rel .LBB2_4-.Ltmp4, $1  }
0x3b: {  	_ =	sdelay $0x3  }
.LBB2_6:
0x3c: {  	_ =	sfence.sel $0x180000  }
0x3d: {  	s2 =	simm.s32 $0x2;
	[bflag:$0x0] =	sbarrier.arrive $0xFFFF  }
0x3e: {  	s30 =	simm.s32 $0x3;
	[sflag:s2] =	ssyncpa.u1 $0x1  }
0x3f: {  	s31 =	simm.s32 $0x1;
	[sflag:s30] =	ssyncpa.u1 $0x1  }
0x40: {  	[sflag:s31] =	ssyncpa.u1 $0x1  }
0x41: {  	p0 =	sne.s32 s1, $0x0;
	_ =	strace $0x90000047  }
0x42: {  	s0 =	sadd.s32 @!p0 $0x100000, s0;
	[bflag:$0x2] =	sbarrier.arrive $0xFFFF  }
0x43: {  	[sflag:s0] =	ssyncadd.tile.s32 @!p0 $0x1;
	_ =	shalt  }
.Lfunc_end2:
_tile_overlayer_lowered:
.L_overlay_start_2:
0x44: {  	(tag) =	ssettag $0x2  }
0x45: {  	s0 =	rddreg [dreg:$0x0];
	s2 =	stileid.u32  }
0x46: {  	s1 =	rddreg [dreg:$0x1];
	p0 =	sne.s32 s2, $0x0  }
0x47: {  	s3 =	rddreg [dreg:$0x2];
	[bflag:$0x3] =	sbarrier.arrive $0xFFFF;
	s2 =	simm.s32 @!p0 $0x1C01  }
0x48: {  	[timem:s3], [sflag:s2] =	dma.local @!p0 [hbm:s0], s1  }
0x49: {  	s0 =	simm.s32 @!p0 $0x1  }
0x4a: {  	_ =	swait.ge @!p0 [sflag:s0], s1  }
0x4b: {  	s1 =	ssub.s32 @!p0 $0x0, s1;
	[sflag:s0] =	ssyncset.done @!p0 $0x0  }
0x4c: {  	[sflag:s0] =	ssyncadd.s32 @!p0 s1  }
0x4d: {  	[bflag:$0x3] =	sbarrier.arrive $0xFFFF  }
0x4e: {  	_ =	shalt  }

// kernel: kernel.3.cloned.1.call-start
scs
__scs_entry_jumppad:
0x0: {  	(pc) =	sbr.rel $0x88, $3  }
0x1: {  	(tag) =	ssettag $0x0;
	lr =	simm.s32 $0x1  }
0x2: {  	[smem:$0x3F9D] =	sst lr;
	_ =	strace $0xD0000000  }
0x3: {  	_ = 	snop  }
0x4: {  	_ = 	snop  }
0x5: {  	_ = 	snop  }
0x6: {  	_ = 	snop  }
0x7: {  	_ = 	snop  }
__scs_overlays_trampoline_lowered:
0x8: {  	[smem:$0x3FAC] =	sst s0  }
0x9: {  	[smem:$0x3FAD] =	sst s1  }
0xa: {  	[smem:$0x3FAE] =	sst s2  }
0xb: {  	[smem:$0x3FAF] =	sst s3  }
0xc: {  	[smem:$0x3FB0] =	sst s4  }
0xd: {  	[smem:$0x3FB1] =	sst s5  }
0xe: {  	[smem:$0x3FB2] =	sst s6  }
0xf: {  	[smem:$0x3FB3] =	sst s7  }
0x10: {  	[smem:$0x3FB4] =	sst s8  }
0x11: {  	[smem:$0x3FB5] =	sst s9;
	s0 =	simm.s32 @!p0 $0x0  }
0x12: {  	s1 =	sld [smem:$0x3F9B];
	s0 =	simm.s32 @p0 $0x1  }
0x13: {  	[smem:$0x3FB6] =	sst s0;
	s0 =	simm.s32 @!p1 $0x0  }
0x14: {  	s2 =	sld [smem:$0x3F9A];
	s0 =	simm.s32 @p1 $0x1  }
0x15: {  	[smem:$0x3FB7] =	sst s0;
	s0 =	simm.s32 @!p2 $0x0  }
0x16: {  	s3 =	sld [smem:$0x3FDB];
	s0 =	simm.s32 @p2 $0x1  }
0x17: {  	s4 =	simm.s32 $0x1BF5;
	[smem:$0x3FB9] =	sst s0  }
0x18: {  	s0 =	sld [smem:$0x3F9C];
	_ =	swait.ge [sflag:s4], $0x0  }
0x19: {  	s7 =	sld [smem:$0x3F9D]  }
0x1a: {  	s8 =	sadd.s32 $0xFFFFE003, lr  }
0x1b: {  	s9 =	sadd.s32 $0xFFFFFEF7, lr;
	s5 =	simm.s32 $0xFFFFFFFF;
	p2 =	slt.u32 s8, $0xFFFFF086  }
0x1c: {  	p1 =	slt.u32 s9, $0xF7A;
	s5 =	simm.s32 @!p2 $0x0  }
0x1d: {  	s5 =	simm.s32 @p1 $0x1;
	p0 =	seq.s32 s7, s2  }
0x1e: {  	s7 =	smul.u32 @!p0 $0xF7A, s2;
	p2 =	seq.s32 @!p0 s5, $0x0  }
0x1f: {  	s9 =	smul.u32 $0xF7A, s1;
	s8 =	simm.s32 @!p0 $0x1BF5;
	p2 =	por !p2, p0  }
0x20: {  	[sflag:s8] =	ssyncset.s32 @!p0 $0xFFFFF086;
	s6 =	sadd.s32 @!p0 s3, s7;
	s7 =	simm.s32 @!p0 $0x108  }
0x21: {  	s3 =	sadd.s32 s3, s9;
	s6 =	sadd.s32 @!p0 $0x88, s6;
	s7 =	simm.s32 @p2 $0x1082  }
0x22: {  	[simem:s7], [sflag:s8] =	dma.local @!p0 [hbm:s6], $0xF7A  }
0x23: {  	s9 =	sor.u32 $0xD0000000, s2;
	s6 =	simm.s32 $0x108;
	_ =	swait.ge @!p0 [sflag:s8], $0x0  }
0x24: {  	s3 =	sadd.s32 $0x88, s3;
	s6 =	simm.s32 @!p1 $0x1082;
	[sflag:s4] =	ssyncset.s32 $0xFFFFF086  }
0x25: {  	[simem:s6], [sflag:s4] =	dma.local [hbm:s3], $0xF7A  }
0x26: {  	[smem:$0x3F9D] =	sst s1;
	(tag) =	ssettag s2;
	_ =	strace s9  }
0x27: {  	s1 =	sld [smem:$0x3FAD]  }
0x28: {  	s2 =	sld [smem:$0x3FAE]  }
0x29: {  	s4 =	sld [smem:$0x3FB0]  }
0x2a: {  	p0 =	seq.s32 s5, $0x0;
	s5 =	sld [smem:$0x3FB1]  }
0x2b: {  	s6 =	sld [smem:$0x3FB2]  }
0x2c: {  	s7 =	sld [smem:$0x3FB3]  }
0x2d: {  	s3 =	simm.s32 $0x108;
	s8 =	sld [smem:$0x3FB4]  }
0x2e: {  	s3 =	simm.s32 @!p0 $0x1082;
	s9 =	sld [smem:$0x3FB5]  }
0x2f: {  	lr =	sadd.s32 s0, s3;
	s0 =	sld [smem:$0x3FAC]  }
0x30: {  	s3 =	sld [smem:$0x3FAF]  }
0x31: {  	[smem:$0x3FB8] =	sst s10  }
0x32: {  	s10 =	sld [smem:$0x3FB6];
	_ =	sdelay $0x3  }
0x33: {  	p0 =	seq.s32 s10, $0x1;
	s10 =	sld [smem:$0x3FB8];
	_ =	sdelay $0x3  }
0x34: {  	[smem:$0x3FB8] =	sst s10  }
0x35: {  	s10 =	sld [smem:$0x3FB7];
	_ =	sdelay $0x3  }
0x36: {  	p1 =	seq.s32 s10, $0x1;
	s10 =	sld [smem:$0x3FB8];
	_ =	sdelay $0x3  }
0x37: {  	[smem:$0x3FB8] =	sst s10  }
0x38: {  	s10 =	sld [smem:$0x3FB9]  }
0x39: {  	_ = 	snop;
	(pc) =	sbr.ind lr, $3  }
0x3a: {  	_ = 	snop  }
0x3b: {  	_ = 	snop  }
0x3c: {  	p2 =	seq.s32 s10, $0x1;
	s10 =	sld [smem:$0x3FB8]  }
0x3d: {  	_ =	shalt  }
0x3e: {  	_ =	shalt  }
0x3f: {  	_ =	shalt  }
0x40: {  	_ =	shalt  }
0x41: {  	_ =	shalt  }
0x42: {  	_ =	shalt  }
0x43: {  	_ =	shalt  }
0x44: {  	_ =	shalt  }
0x45: {  	_ =	shalt  }
0x46: {  	_ =	shalt  }
0x47: {  	_ =	shalt  }
0x48: {  	_ =	shalt  }
0x49: {  	_ =	shalt  }
0x4a: {  	_ =	shalt  }
0x4b: {  	_ =	shalt  }
0x4c: {  	_ =	shalt  }
0x4d: {  	_ =	shalt  }
0x4e: {  	_ =	shalt  }
0x4f: {  	_ =	shalt  }
0x50: {  	_ =	shalt  }
0x51: {  	_ =	shalt  }
0x52: {  	_ =	shalt  }
0x53: {  	_ =	shalt  }
0x54: {  	_ =	shalt  }
0x55: {  	_ =	shalt  }
0x56: {  	_ =	shalt  }
0x57: {  	_ =	shalt  }
0x58: {  	_ =	shalt  }
0x59: {  	_ =	shalt  }
0x5a: {  	_ =	shalt  }
0x5b: {  	_ =	shalt  }
0x5c: {  	_ =	shalt  }
0x5d: {  	_ =	shalt  }
0x5e: {  	_ =	shalt  }
0x5f: {  	_ =	shalt  }
0x60: {  	_ =	shalt  }
0x61: {  	_ =	shalt  }
0x62: {  	_ =	shalt  }
0x63: {  	_ =	shalt  }
0x64: {  	_ =	shalt  }
0x65: {  	_ =	shalt  }
0x66: {  	_ =	shalt  }
0x67: {  	_ =	shalt  }
0x68: {  	_ =	shalt  }
0x69: {  	_ =	shalt  }
0x6a: {  	_ =	shalt  }
0x6b: {  	_ =	shalt  }
0x6c: {  	_ =	shalt  }
0x6d: {  	_ =	shalt  }
0x6e: {  	_ =	shalt  }
0x6f: {  	_ =	shalt  }
0x70: {  	_ =	shalt  }
0x71: {  	_ =	shalt  }
0x72: {  	_ =	shalt  }
0x73: {  	_ =	shalt  }
0x74: {  	_ =	shalt  }
0x75: {  	_ =	shalt  }
0x76: {  	_ =	shalt  }
0x77: {  	_ =	shalt  }
0x78: {  	_ =	shalt  }
0x79: {  	_ =	shalt  }
0x7a: {  	_ =	shalt  }
0x7b: {  	_ =	shalt  }
0x7c: {  	_ =	shalt  }
0x7d: {  	_ =	shalt  }
0x7e: {  	_ =	shalt  }
0x7f: {  	_ =	shalt  }
0x80: {  	_ =	shalt  }
0x81: {  	_ =	shalt  }
0x82: {  	_ =	shalt  }
0x83: {  	_ =	shalt  }
0x84: {  	_ =	shalt  }
0x85: {  	_ =	shalt  }
0x86: {  	_ =	shalt  }
0x87: {  	_ =	shalt  }
.Lfunc_end0:
.L_simem_size_0:
called_computation.1_lowered:
.L_overlay_start_0:
0x88: {  	s2 =	sld [smem:$0x3FD9]  }
0x89: {  	s3 =	sld [smem:$0x3FFE];
	_ =	sdelay $0x1  }
0x8a: {  	s1 =	srdreg.scid  }
0x8b: {  	s0 =	sand.u32 $0x1, s1  }
0x8c: {  	s17 =	sshll.u32 s0, $0xA;
	s2 =	sadd.s32 s3, s2  }
0x8d: {  	s2 =	sadd.s32 s2, s17  }
0x8e: {  	[smem:$0x3FC4] =	sst s2  }
0x8f: {  	_ = 	snop  }
0x90: {  	s2 =	sld [smem:$0x3FD0];
	(tm) =	ssettm $0x1  }
0x91: {  	s18 =	sld [smem:$0x3FFB];
	_ =	sdelay $0x3  }
0x92: {  	_ =	strace s18  }
0x93: {  	s3 =	sld [smem:$0x3FFC];
	_ =	sdelay $0x3  }
0x94: {  	_ =	strace s3  }
0x95: {  	s3 =	sld [smem:$0x3FFD];
	_ =	sdelay $0x3  }
0x96: {  	_ =	strace s3  }
0x97: {  	_ =	strace $0x8FFFFFFF  }
0x98: {  	s19 =	sld [smem:$0x3FDB];
	_ =	sdelay $0x1  }
0x99: {  	s4 =	simm.s32 $_scs_section_size  }
0x9a: {  	s5 =	simm.s32 $_size__tile_overlayer_lowered;
	s6 =	simm.s32 $_tile_overlayer_lowered  }
0x9b: {  	s22 =	simm.s32 $0x1BFF;
	s21 =	sshll.u32 s6, $0x1;
	s3 =	sadd.s32 s4, s19  }
0x9c: {  	s7 =	simm.s32 $0x0;
	s20 =	sshll.u32 s5, $0x1;
	s5 =	sadd.s32 s21, s3  }
0x9d: {  	[timem:s7], [sflag:s22] =	dma.local [hbm:s5], s20  }
0x9e: {  	_ =	swait.ge [sflag:s22], s20  }
0x9f: {  	s4 =	ssub.s32 $0x0, s20;
	[sflag:s22] =	ssyncset.done $0x0  }
0xa0: {  	[sflag:s22] =	ssyncadd.s32 s4;
	_ =	sdelay $0x1  }
0xa1: {  	s23 =	simm.s32 $0x1B8B  }
0xa2: {  	_ =	swait.ge [sflag:s23], $0x1  }
0xa3: {  	[sflag:s23] =	ssyncset.done $0x0  }
0xa4: {  	s25 =	simm.s32 $0x1B8E;
	s24 =	sld [smem:$0x3FFE];
	[sflag:s23] =	ssyncadd.s32 $0xFFFFFFFF  }
0xa5: {  	s26 =	simm.s32 $execute0_lowered;
	[smem:$0x3FD2] =	sst s25  }
0xa6: {  	s5 =	sshll.u32 s26, $0x1;
	_ =	strace $0x80000049;
	[dreg:$0x1] =	wrdreg $0xFFFFFFFF  }
0xa7: {  	s28 =	simm.s32 $_size_execute0_lowered;
	s3 =	sadd.s32 s3, s5;
	[dreg:$0x0] =	wrdreg $0x0  }
0xa8: {  	s5 =	sshll.u32 s28, $0x1;
	[dreg:$0x2] =	wrdreg s3  }
0xa9: {  	[dreg:$0x3] =	wrdreg s5  }
0xaa: {  	[dreg:$0x4] =	wrdreg $0xC0  }
0xab: {  	_ =	task [dreg:s7], $0x5FFFF  }
0xac: {  	[dreg:$0x1] =	wrdreg $0xFFFFFFFF  }
0xad: {  	[dreg:$0x0] =	wrdreg $0x60  }
0xae: {  	[dreg:$0x2] =	wrdreg s2  }
0xaf: {  	[dreg:$0x3] =	wrdreg s24  }
0xb0: {  	[dreg:$0x4] =	wrdreg $0x9  }
0xb1: {  	_ =	task.clear_ibuf [dreg:s7], $0x5FFFF;
	_ =	strace $0x90000049  }
0xb2: {  	s29 =	simm.s32 $0x9;
	_ =	strace $0x8000004B  }
0xb3: {  	_ =	swait.ge [sflag:s29], $0x1  }
0xb4: {  	[sflag:s29] =	ssyncadd.s32 $0xFFFFFFFF  }
0xb5: {  	_ =	strace $0x9000004B  }
0xb6: {  	_ =	sfence  }
0xb7: {  	s30 =	sld [smem:$0x0];
	_ =	sdelay $0x2  }
0xb8: {  	s31 =	sshll.u32 s1, $0xD;
	s1 =	sshrl.u32 s1, $0x2  }
0xb9: {  	s3 =	sand.u32 $0x4000, s31;
	s1 =	sadd.s32 s1, s30  }
0xba: {  	s0 =	sor.u32 s3, s0;
	s1 =	sshll.u32 s1, $0x11  }
0xbb: {  	s0 =	sor.u32 s1, s0  }
0xbc: {  	s0 =	sadd.s32 $0x8F2B, s0  }
0xbd: {  	[sflag:s0] =	ssyncadd.remote.s32 $0x1  }
0xbe: {  	_ =	sfence.sel $0xFFFF  }
0xbf: {  	[dreg:$0x0] =	wrdreg $0xFFFFFFFF;
	(pc) =	sbr.abs _section_cstart, $3  }
0xc0: {  	[dreg:$0x1] =	wrdreg $0xFFFFFFFF  }
0xc1: {  	_ =	task.clear_ibuf [dreg:s7], $0x2FFFF;
	_ =	strace $0x9FFFFFFF  }
0xc2: {  	(tm) =	ssettm $0x7FFFFFFF  }
0xc3: {  	_ =	shalt  }
tec
execute0_lowered:
.L_overlay_start_1:
0x0: {  	(tag) =	ssettag $0x1  }
0x1: {  	s0 =	srdreg.scid;
	s1 =	stileid.u32  }
0x2: {  	s3 =	rddreg [dreg:$0x0];
	s0 =	sand.u32 $0x1, s0;
	s1 =	sshll.u32 s1, $0x1  }
0x3: {  	s4 =	rddreg [dreg:$0x1];
	s2 =	simm.s32 $0x0;
	s1 =	sor.u32 s0, s1  }
0x4: {  	s31 =	simm.s32 $0x5;
	s9 =	simm.s32 $0xC980;
	s5 =	smul.u32 $0x130, s1  }
0x5: {  	s30 =	simm.s32 $0x100;
	[smem:$0x7FF] =	sst s2;
	s6 =	smul.u32 $0xE4000, s1  }
0x6: {  	_ =	strace $0x8000004A;
	s7 =	smul.u32 $0x1C800, s1;
	s5 =	sadd.s32 s5, s4  }
0x7: {  	s4 =	sadd.s32 $0x3600, s4;
	s6 =	sshrl.u32 s6, $0x3;
	s5 =	sadd.s32 $0x1000, s5  }
0x8: {  	s10 =	sadd.s32 s4, s7;
	s6 =	sadd.s32 s4, s6;
	[dreg:$0x3] =	wrdreg s5  }
0x9: {  	s29 =	simm.s32 $0x180;
	[dreg:$0x4] =	wrdreg s10;
	s11 =	sadd.s32 $0x1800, s6  }
0xa: {  	s28 =	simm.s32 $0x200;
	s12 =	sadd.s32 $0x3000, s6;
	[dreg:$0x5] =	wrdreg s11  }
0xb: {  	p0 =	por $0x0, $0x0;
	s13 =	sadd.s32 $0x4800, s6;
	[dreg:$0x6] =	wrdreg s12  }
0xc: {  	s0 =	ssub.s32 $0x2, s0;
	s14 =	sadd.s32 $0x6000, s6;
	[dreg:$0x7] =	wrdreg s13  }
0xd: {  	s1 =	smul.u32 $0x4C0, s1;
	s15 =	sadd.s32 $0x7800, s6;
	[dreg:$0x8] =	wrdreg s14  }
0xe: {  	s23 =	sshrl.u32 s0, $0x1;
	s16 =	sadd.s32 $0x9000, s6;
	[dreg:$0x9] =	wrdreg s15  }
0xf: {  	s0 =	ssub.s32 s0, s23;
	s17 =	sadd.s32 $0xA800, s6;
	[dreg:$0xa] =	wrdreg s16  }
0x10: {  	s23 =	simm.s32 $0x400;
	s18 =	sadd.s32 $0xC000, s6;
	[dreg:$0xb] =	wrdreg s17  }
0x11: {  	s24 =	smin.u32 s1, $0x9319;
	s19 =	sadd.s32 $0xD800, s6;
	[dreg:$0xc] =	wrdreg s18  }
0x12: {  	s1 =	smin.u32 s1, $0x92D9;
	s20 =	sadd.s32 $0xF000, s6;
	[dreg:$0xd] =	wrdreg s19  }
0x13: {  	s0 =	smax.u32 s0, $0x1;
	s21 =	sadd.s32 $0x10800, s6;
	[dreg:$0xe] =	wrdreg s20  }
0x14: {  	s1 =	smul.u32 $0x300, s1;
	s22 =	sadd.s32 $0x12000, s6;
	[dreg:$0xf] =	wrdreg s21  }
0x15: {  	p1 =	sne.s32 s0, $0x1;
	s8 =	sadd.s32 $0x13800, s6;
	[dreg:$0x10] =	wrdreg s22  }
0x16: {  	s5 =	smul.u32 $0x300, s24;
	s25 =	sadd.s32 $0x15000, s6;
	[dreg:$0x11] =	wrdreg s8  }
0x17: {  	s26 =	sadd.s32 $0x16800, s6;
	s6 =	sadd.s32 $0x18000, s6;
	[dreg:$0x12] =	wrdreg s25  }
0x18: {  	s10 =	simm.s32 $0x80;
	s24 =	simm.s32 $0x380;
	[dreg:$0x13] =	wrdreg s26  }
0x19: {  	s1 =	sshrl.u32 s1, $0x3;
	[dreg:$0x14] =	wrdreg s6;
	s8 =	simm.s32 $0x1  }
0x1a: {  	s6 =	simm.s32 $0x3;
	s12 =	simm.s32 $0x2;
	s11 =	simm.s32 $0x4  }
0x1b: {  	s26 =	simm.s32 $0x280;
	s25 =	simm.s32 $0x300;
	s22 =	simm.s32 $0x480  }
0x1c: {  	s21 =	simm.s32 $0x500;
	s20 =	simm.s32 $0x580;
	s19 =	simm.s32 $0x600  }
.Ltmp0:
0x1d: {  	s18 =	simm.s32 $0x680;
	s17 =	simm.s32 $0x700;
	(pc) =	sbr.rel @!p1 .LBB2_3-.Ltmp0, $4  }
0x1e: {  	s16 =	simm.s32 $0x780;
	s15 =	simm.s32 $0x800;
	s14 =	simm.s32 $0x880  }
0x1f: {  	s13 =	simm.s32 $0x900;
	s5 =	sshrl.u32 s5, $0x3;
	s1 =	sadd.s32 s4, s1  }
0x20: {  	s5 =	sadd.s32 s4, s5;
	s4 =	sadd.s32 $0x1B000, s1;
	s1 =	sadd.s32 $0xFFFFFFFF, s0  }
0x21: {  	s0 =	rddreg [dreg:$0x3];
	s7 =	sadd.s32 $0x19800, s5;
	s5 =	simm.s32 $0x980  }
0x22: {  	[tilespmem:s2], [sflag:$0x5] =	stream.linear.gather [hbm4b:s0+s2], $0x980, $0x38;
	[tilespmem:$0x18980] =	vst v63  }
0x23: {  	_ =	swait.ge [sflag:s31], $0x980  }
0x24: {  	[sflag:s31] =	ssyncset.done $0x0  }
0x25: {  	[sflag:s31] =	ssyncadd.s32 $0xFFFFF680  }
0x26: {  	[tilespmem:s5], [sflag:$0x1] =	stream.indirect.gather [hbm4b:s3+s10], $0x180, s2, s10, $0xb8;
	[tilespmem:$0x18980] =	vst v63  }
0x27: {  	_ = 	snop  }
0x28: {  	[tilespmem:s9], [sflag:$0x2] =	stream.indirect.gather [hbm4b:s3+s10], $0x180, s10, s10, $0xb8;
	[tilespmem:$0x18980] =	vst v63  }
0x29: {  	_ =	swait.ge [sflag:s8], $0xC000  }
0x2a: {  	[sflag:s8] =	ssyncset.done $0x0  }
0x2b: {  	s0 =	rddreg [dreg:$0x4];
	[sflag:s8] =	ssyncadd.s32 $0xFFFF4000  }
0x2c: {  	[hbm4b:s0+s2] =	stream.linear.scatter [tilespmem:s5], [sflag:$0x3], $0xC000, $0x38;
	[tilespmem:$0x18980] =	vst v63  }
0x2d: {  	_ =	swait.ge [sflag:s6], $0xC000  }
0x2e: {  	[sflag:s6] =	ssyncset.done $0x0  }
0x2f: {  	[sflag:s6] =	ssyncadd.s32 $0xFFFF4000  }
0x30: {  	[tilespmem:s5], [sflag:$0x1] =	stream.indirect.gather [hbm4b:s3+s10], $0x180, s30, s10, $0xb8;
	[tilespmem:$0x18980] =	vst v63  }
0x31: {  	_ =	swait.ge [sflag:s12], $0xC000  }
0x32: {  	[sflag:s12] =	ssyncset.done $0x0  }
0x33: {  	s0 =	rddreg [dreg:$0x5];
	[sflag:s12] =	ssyncadd.s32 $0xFFFF4000  }
0x34: {  	[hbm4b:s0+s2] =	stream.linear.scatter [tilespmem:s9], [sflag:$0x4], $0xC000, $0x38;
	[tilespmem:$0x18980] =	vst v63  }
0x35: {  	_ =	swait.ge [sflag:s11], $0xC000  }
0x36: {  	[sflag:s11] =	ssyncset.done $0x0  }
0x37: {  	[sflag:s11] =	ssyncadd.s32 $0xFFFF4000  }
0x38: {  	[tilespmem:s9], [sflag:$0x2] =	stream.indirect.gather [hbm4b:s3+s10], $0x180, s29, s10, $0xb8;
	[tilespmem:$0x18980] =	vst v63  }
0x39: {  	_ =	swait.ge [sflag:s8], $0xC000  }
0x3a: {  	[sflag:s8] =	ssyncset.done $0x0  }
0x3b: {  	s0 =	rddreg [dreg:$0x6];
	[sflag:s8] =	ssyncadd.s32 $0xFFFF4000  }
0x3c: {  	[hbm4b:s0+s2] =	stream.linear.scatter [tilespmem:s5], [sflag:$0x3], $0xC000, $0x38;
	[tilespmem:$0x18980] =	vst v63  }
0x3d: {  	_ =	swait.ge [sflag:s6], $0xC000  }
0x3e: {  	[sflag:s6] =	ssyncset.done $0x0  }
0x3f: {  	[sflag:s6] =	ssyncadd.s32 $0xFFFF4000  }
0x40: {  	[tilespmem:s5], [sflag:$0x1] =	stream.indirect.gather [hbm4b:s3+s10], $0x180, s28, s10, $0xb8;
	[tilespmem:$0x18980] =	vst v63  }
0x41: {  	_ =	swait.ge [sflag:s12], $0xC000  }
0x42: {  	[sflag:s12] =	ssyncset.done $0x0  }
0x43: {  	s0 =	rddreg [dreg:$0x7];
	[sflag:s12] =	ssyncadd.s32 $0xFFFF4000  }
0x44: {  	[hbm4b:s0+s2] =	stream.linear.scatter [tilespmem:s9], [sflag:$0x4], $0xC000, $0x38;
	[tilespmem:$0x18980] =	vst v63  }
0x45: {  	_ =	swait.ge [sflag:s11], $0xC000  }
0x46: {  	[sflag:s11] =	ssyncset.done $0x0  }
0x47: {  	[sflag:s11] =	ssyncadd.s32 $0xFFFF4000  }
0x48: {  	[tilespmem:s9], [sflag:$0x2] =	stream.indirect.gather [hbm4b:s3+s10], $0x180, s26, s10, $0xb8;
	[tilespmem:$0x18980] =	vst v63  }
0x49: {  	_ =	swait.ge [sflag:s8], $0xC000  }
0x4a: {  	[sflag:s8] =	ssyncset.done $0x0  }
0x4b: {  	s0 =	rddreg [dreg:$0x8];
	[sflag:s8] =	ssyncadd.s32 $0xFFFF4000  }
0x4c: {  	[hbm4b:s0+s2] =	stream.linear.scatter [tilespmem:s5], [sflag:$0x3], $0xC000, $0x38;
	[tilespmem:$0x18980] =	vst v63  }
0x4d: {  	_ =	swait.ge [sflag:s6], $0xC000  }
0x4e: {  	[sflag:s6] =	ssyncset.done $0x0  }
0x4f: {  	[sflag:s6] =	ssyncadd.s32 $0xFFFF4000  }
0x50: {  	[tilespmem:s5], [sflag:$0x1] =	stream.indirect.gather [hbm4b:s3+s10], $0x180, s25, s10, $0xb8;
	[tilespmem:$0x18980] =	vst v63  }
0x51: {  	_ =	swait.ge [sflag:s12], $0xC000  }
0x52: {  	[sflag:s12] =	ssyncset.done $0x0  }
0x53: {  	s0 =	rddreg [dreg:$0x9];
	[sflag:s12] =	ssyncadd.s32 $0xFFFF4000  }
0x54: {  	[hbm4b:s0+s2] =	stream.linear.scatter [tilespmem:s9], [sflag:$0x4], $0xC000, $0x38;
	[tilespmem:$0x18980] =	vst v63  }
0x55: {  	_ =	swait.ge [sflag:s11], $0xC000  }
0x56: {  	[sflag:s11] =	ssyncset.done $0x0  }
0x57: {  	[sflag:s11] =	ssyncadd.s32 $0xFFFF4000  }
0x58: {  	[tilespmem:s9], [sflag:$0x2] =	stream.indirect.gather [hbm4b:s3+s10], $0x180, s24, s10, $0xb8;
	[tilespmem:$0x18980] =	vst v63  }
0x59: {  	_ =	swait.ge [sflag:s8], $0xC000  }
0x5a: {  	[sflag:s8] =	ssyncset.done $0x0  }
0x5b: {  	s0 =	rddreg [dreg:$0xa];
	[sflag:s8] =	ssyncadd.s32 $0xFFFF4000  }
0x5c: {  	[hbm4b:s0+s2] =	stream.linear.scatter [tilespmem:s5], [sflag:$0x3], $0xC000, $0x38;
	[tilespmem:$0x18980] =	vst v63  }
0x5d: {  	_ =	swait.ge [sflag:s6], $0xC000  }
0x5e: {  	[sflag:s6] =	ssyncset.done $0x0  }
0x5f: {  	[sflag:s6] =	ssyncadd.s32 $0xFFFF4000  }
0x60: {  	[tilespmem:s5], [sflag:$0x1] =	stream.indirect.gather [hbm4b:s3+s10], $0x180, s23, s10, $0xb8;
	[tilespmem:$0x18980] =	vst v63  }
0x61: {  	_ =	swait.ge [sflag:s12], $0xC000  }
0x62: {  	[sflag:s12] =	ssyncset.done $0x0  }
0x63: {  	s0 =	rddreg [dreg:$0xb];
	[sflag:s12] =	ssyncadd.s32 $0xFFFF4000  }
0x64: {  	[hbm4b:s0+s2] =	stream.linear.scatter [tilespmem:s9], [sflag:$0x4], $0xC000, $0x38;
	[tilespmem:$0x18980] =	vst v63  }
0x65: {  	_ =	swait.ge [sflag:s11], $0xC000  }
0x66: {  	[sflag:s11] =	ssyncset.done $0x0  }
0x67: {  	[sflag:s11] =	ssyncadd.s32 $0xFFFF4000  }
0x68: {  	[tilespmem:s9], [sflag:$0x2] =	stream.indirect.gather [hbm4b:s3+s10], $0x180, s22, s10, $0xb8;
	[tilespmem:$0x18980] =	vst v63  }
0x69: {  	_ =	swait.ge [sflag:s8], $0xC000  }
0x6a: {  	[sflag:s8] =	ssyncset.done $0x0  }
0x6b: {  	s0 =	rddreg [dreg:$0xc];
	[sflag:s8] =	ssyncadd.s32 $0xFFFF4000  }
0x6c: {  	[hbm4b:s0+s2] =	stream.linear.scatter [tilespmem:s5], [sflag:$0x3], $0xC000, $0x38;
	[tilespmem:$0x18980] =	vst v63  }
0x6d: {  	_ =	swait.ge [sflag:s6], $0xC000  }
0x6e: {  	[sflag:s6] =	ssyncset.done $0x0  }
0x6f: {  	[sflag:s6] =	ssyncadd.s32 $0xFFFF4000  }
0x70: {  	[tilespmem:s5], [sflag:$0x1] =	stream.indirect.gather [hbm4b:s3+s10], $0x180, s21, s10, $0xb8;
	[tilespmem:$0x18980] =	vst v63  }
0x71: {  	_ =	swait.ge [sflag:s12], $0xC000  }
0x72: {  	[sflag:s12] =	ssyncset.done $0x0  }
0x73: {  	s0 =	rddreg [dreg:$0xd];
	[sflag:s12] =	ssyncadd.s32 $0xFFFF4000  }
0x74: {  	[hbm4b:s0+s2] =	stream.linear.scatter [tilespmem:s9], [sflag:$0x4], $0xC000, $0x38;
	[tilespmem:$0x18980] =	vst v63  }
0x75: {  	_ =	swait.ge [sflag:s11], $0xC000  }
0x76: {  	[sflag:s11] =	ssyncset.done $0x0  }
0x77: {  	[sflag:s11] =	ssyncadd.s32 $0xFFFF4000  }
0x78: {  	[tilespmem:s9], [sflag:$0x2] =	stream.indirect.gather [hbm4b:s3+s10], $0x180, s20, s10, $0xb8;
	[tilespmem:$0x18980] =	vst v63  }
0x79: {  	_ =	swait.ge [sflag:s8], $0xC000  }
0x7a: {  	[sflag:s8] =	ssyncset.done $0x0  }
0x7b: {  	s0 =	rddreg [dreg:$0xe];
	[sflag:s8] =	ssyncadd.s32 $0xFFFF4000  }
0x7c: {  	[hbm4b:s0+s2] =	stream.linear.scatter [tilespmem:s5], [sflag:$0x3], $0xC000, $0x38;
	[tilespmem:$0x18980] =	vst v63  }
0x7d: {  	_ =	swait.ge [sflag:s6], $0xC000  }
0x7e: {  	[sflag:s6] =	ssyncset.done $0x0  }
0x7f: {  	[sflag:s6] =	ssyncadd.s32 $0xFFFF4000  }
0x80: {  	[tilespmem:s5], [sflag:$0x1] =	stream.indirect.gather [hbm4b:s3+s10], $0x180, s19, s10, $0xb8;
	[tilespmem:$0x18980] =	vst v63  }
0x81: {  	_ =	swait.ge [sflag:s12], $0xC000  }
0x82: {  	[sflag:s12] =	ssyncset.done $0x0  }
0x83: {  	s0 =	rddreg [dreg:$0xf];
	[sflag:s12] =	ssyncadd.s32 $0xFFFF4000  }
0x84: {  	[hbm4b:s0+s2] =	stream.linear.scatter [tilespmem:s9], [sflag:$0x4], $0xC000, $0x38;
	[tilespmem:$0x18980] =	vst v63  }
0x85: {  	_ =	swait.ge [sflag:s11], $0xC000  }
0x86: {  	[sflag:s11] =	ssyncset.done $0x0  }
0x87: {  	[sflag:s11] =	ssyncadd.s32 $0xFFFF4000  }
0x88: {  	[tilespmem:s9], [sflag:$0x2] =	stream.indirect.gather [hbm4b:s3+s10], $0x180, s18, s10, $0xb8;
	[tilespmem:$0x18980] =	vst v63  }
0x89: {  	_ =	swait.ge [sflag:s8], $0xC000  }
0x8a: {  	[sflag:s8] =	ssyncset.done $0x0  }
0x8b: {  	s0 =	rddreg [dreg:$0x10];
	[sflag:s8] =	ssyncadd.s32 $0xFFFF4000  }
0x8c: {  	[hbm4b:s0+s2] =	stream.linear.scatter [tilespmem:s5], [sflag:$0x3], $0xC000, $0x38;
	[tilespmem:$0x18980] =	vst v63  }
0x8d: {  	_ =	swait.ge [sflag:s6], $0xC000  }
0x8e: {  	[sflag:s6] =	ssyncset.done $0x0  }
0x8f: {  	[sflag:s6] =	ssyncadd.s32 $0xFFFF4000  }
0x90: {  	[tilespmem:s5], [sflag:$0x1] =	stream.indirect.gather [hbm4b:s3+s10], $0x180, s17, s10, $0xb8;
	[tilespmem:$0x18980] =	vst v63  }
0x91: {  	_ =	swait.ge [sflag:s12], $0xC000  }
0x92: {  	[sflag:s12] =	ssyncset.done $0x0  }
0x93: {  	s0 =	rddreg [dreg:$0x11];
	[sflag:s12] =	ssyncadd.s32 $0xFFFF4000  }
0x94: {  	[hbm4b:s0+s2] =	stream.linear.scatter [tilespmem:s9], [sflag:$0x4], $0xC000, $0x38;
	[tilespmem:$0x18980] =	vst v63  }
0x95: {  	_ =	swait.ge [sflag:s11], $0xC000  }
0x96: {  	[sflag:s11] =	ssyncset.done $0x0  }
0x97: {  	[sflag:s11] =	ssyncadd.s32 $0xFFFF4000  }
0x98: {  	[tilespmem:s9], [sflag:$0x2] =	stream.indirect.gather [hbm4b:s3+s10], $0x180, s16, s10, $0xb8;
	[tilespmem:$0x18980] =	vst v63  }
0x99: {  	_ =	swait.ge [sflag:s8], $0xC000  }
0x9a: {  	[sflag:s8] =	ssyncset.done $0x0  }
0x9b: {  	s0 =	rddreg [dreg:$0x12];
	[sflag:s8] =	ssyncadd.s32 $0xFFFF4000  }
0x9c: {  	[hbm4b:s0+s2] =	stream.linear.scatter [tilespmem:s5], [sflag:$0x3], $0xC000, $0x38;
	[tilespmem:$0x18980] =	vst v63  }
0x9d: {  	_ =	swait.ge [sflag:s6], $0xC000  }
0x9e: {  	[sflag:s6] =	ssyncset.done $0x0  }
0x9f: {  	[sflag:s6] =	ssyncadd.s32 $0xFFFF4000  }
0xa0: {  	[tilespmem:s5], [sflag:$0x1] =	stream.indirect.gather [hbm4b:s3+s10], $0x180, s15, s10, $0xb8;
	[tilespmem:$0x18980] =	vst v63  }
0xa1: {  	_ =	swait.ge [sflag:s12], $0xC000  }
0xa2: {  	[sflag:s12] =	ssyncset.done $0x0  }
0xa3: {  	s0 =	rddreg [dreg:$0x13];
	[sflag:s12] =	ssyncadd.s32 $0xFFFF4000  }
0xa4: {  	[hbm4b:s0+s2] =	stream.linear.scatter [tilespmem:s9], [sflag:$0x4], $0xC000, $0x38;
	[tilespmem:$0x18980] =	vst v63  }
0xa5: {  	_ =	swait.ge [sflag:s11], $0xC000  }
0xa6: {  	[sflag:s11] =	ssyncset.done $0x0  }
0xa7: {  	[sflag:s11] =	ssyncadd.s32 $0xFFFF4000  }
0xa8: {  	[tilespmem:s9], [sflag:$0x2] =	stream.indirect.gather [hbm4b:s3+s10], $0x180, s14, s10, $0xb8;
	[tilespmem:$0x18980] =	vst v63  }
0xa9: {  	_ =	swait.ge [sflag:s8], $0xC000  }
0xaa: {  	[sflag:s8] =	ssyncset.done $0x0  }
0xab: {  	s0 =	rddreg [dreg:$0x14];
	[sflag:s8] =	ssyncadd.s32 $0xFFFF4000  }
0xac: {  	[hbm4b:s0+s2] =	stream.linear.scatter [tilespmem:s5], [sflag:$0x3], $0xC000, $0x38;
	[tilespmem:$0x18980] =	vst v63  }
0xad: {  	_ =	swait.ge [sflag:s6], $0xC000  }
0xae: {  	[sflag:s6] =	ssyncset.done $0x0  }
0xaf: {  	[sflag:s6] =	ssyncadd.s32 $0xFFFF4000  }
0xb0: {  	[tilespmem:s5], [sflag:$0x1] =	stream.indirect.gather [hbm4b:s3+s10], $0x180, s13, s10, $0xb8;
	[tilespmem:$0x18980] =	vst v63  }
0xb1: {  	_ =	swait.ge [sflag:s12], $0xC000  }
0xb2: {  	[sflag:s12] =	ssyncset.done $0x0  }
0xb3: {  	[sflag:s12] =	ssyncadd.s32 $0xFFFF4000  }
0xb4: {  	[hbm4b:s7+s2] =	stream.linear.scatter [tilespmem:s9], [sflag:$0x4], $0xC000, $0x38;
	[tilespmem:$0x18980] =	vst v63  }
0xb5: {  	_ =	swait.ge [sflag:s11], $0xC000  }
0xb6: {  	[sflag:s11] =	ssyncset.done $0x0  }
0xb7: {  	[sflag:s11] =	ssyncadd.s32 $0xFFFF4000  }
0xb8: {  	p1 =	sne.s32 s1, $0x1;
	_ =	swait.ge [sflag:s8], $0xC000  }
.Ltmp1:
0xb9: {  	[sflag:s8] =	ssyncset.done $0x0;
	(pc) =	sbr.rel @!p1 .LBB2_3-.Ltmp1, $4  }
0xba: {  	[sflag:s8] =	ssyncadd.s32 $0xFFFF4000  }
0xbb: {  	[hbm4b:s4+s2] =	stream.linear.scatter [tilespmem:s5], [sflag:$0x3], $0xC000, $0x38;
	[tilespmem:$0x18980] =	vst v63  }
0xbc: {  	s1 =	sadd.s32 $0xFFFFFFFF, s1;
	_ =	swait.ge [sflag:s6], $0xC000  }
0xbd: {  	p0 =	por $0x1, $0x1;
	s0 =	rddreg [dreg:$0x3];
	[sflag:s6] =	ssyncset.done $0x0  }
.LBB2_2:
0xbe: {  	[sflag:s6] =	ssyncadd.s32 $0xFFFF4000  }
0xbf: {  	[tilespmem:s2], [sflag:$0x5] =	stream.linear.gather [hbm4b:s0+s2], $0x980, $0x38;
	[tilespmem:$0x18980] =	vst v63  }
0xc0: {  	_ =	swait.ge [sflag:s31], $0x980  }
0xc1: {  	[sflag:s31] =	ssyncset.done $0x0  }
0xc2: {  	[sflag:s31] =	ssyncadd.s32 $0xFFFFF680  }
0xc3: {  	[tilespmem:s5], [sflag:$0x1] =	stream.indirect.gather [hbm4b:s3+s10], $0x180, s2, s10, $0xb8;
	[tilespmem:$0x18980] =	vst v63  }
0xc4: {  	_ = 	snop  }
0xc5: {  	[tilespmem:s9], [sflag:$0x2] =	stream.indirect.gather [hbm4b:s3+s10], $0x180, s10, s10, $0xb8;
	[tilespmem:$0x18980] =	vst v63  }
0xc6: {  	_ =	swait.ge [sflag:s8], $0xC000  }
0xc7: {  	[sflag:s8] =	ssyncset.done $0x0  }
0xc8: {  	s0 =	rddreg [dreg:$0x4];
	[sflag:s8] =	ssyncadd.s32 $0xFFFF4000  }
0xc9: {  	[hbm4b:s0+s2] =	stream.linear.scatter [tilespmem:s5], [sflag:$0x3], $0xC000, $0x38;
	[tilespmem:$0x18980] =	vst v63  }
0xca: {  	_ =	swait.ge [sflag:s6], $0xC000  }
0xcb: {  	[sflag:s6] =	ssyncset.done $0x0  }
0xcc: {  	[sflag:s6] =	ssyncadd.s32 $0xFFFF4000  }
0xcd: {  	[tilespmem:s5], [sflag:$0x1] =	stream.indirect.gather [hbm4b:s3+s10], $0x180, s30, s10, $0xb8;
	[tilespmem:$0x18980] =	vst v63  }
0xce: {  	_ =	swait.ge [sflag:s12], $0xC000  }
0xcf: {  	[sflag:s12] =	ssyncset.done $0x0  }
0xd0: {  	s0 =	rddreg [dreg:$0x5];
	[sflag:s12] =	ssyncadd.s32 $0xFFFF4000  }
0xd1: {  	[hbm4b:s0+s2] =	stream.linear.scatter [tilespmem:s9], [sflag:$0x4], $0xC000, $0x38;
	[tilespmem:$0x18980] =	vst v63  }
0xd2: {  	_ =	swait.ge [sflag:s11], $0xC000  }
0xd3: {  	[sflag:s11] =	ssyncset.done $0x0  }
0xd4: {  	[sflag:s11] =	ssyncadd.s32 $0xFFFF4000  }
0xd5: {  	[tilespmem:s9], [sflag:$0x2] =	stream.indirect.gather [hbm4b:s3+s10], $0x180, s29, s10, $0xb8;
	[tilespmem:$0x18980] =	vst v63  }
0xd6: {  	_ =	swait.ge [sflag:s8], $0xC000  }
0xd7: {  	[sflag:s8] =	ssyncset.done $0x0  }
0xd8: {  	s0 =	rddreg [dreg:$0x6];
	[sflag:s8] =	ssyncadd.s32 $0xFFFF4000  }
0xd9: {  	[hbm4b:s0+s2] =	stream.linear.scatter [tilespmem:s5], [sflag:$0x3], $0xC000, $0x38;
	[tilespmem:$0x18980] =	vst v63  }
0xda: {  	_ =	swait.ge [sflag:s6], $0xC000  }
0xdb: {  	[sflag:s6] =	ssyncset.done $0x0  }
0xdc: {  	[sflag:s6] =	ssyncadd.s32 $0xFFFF4000  }
0xdd: {  	[tilespmem:s5], [sflag:$0x1] =	stream.indirect.gather [hbm4b:s3+s10], $0x180, s28, s10, $0xb8;
	[tilespmem:$0x18980] =	vst v63  }
0xde: {  	_ =	swait.ge [sflag:s12], $0xC000  }
0xdf: {  	[sflag:s12] =	ssyncset.done $0x0  }
0xe0: {  	s0 =	rddreg [dreg:$0x7];
	[sflag:s12] =	ssyncadd.s32 $0xFFFF4000  }
0xe1: {  	[hbm4b:s0+s2] =	stream.linear.scatter [tilespmem:s9], [sflag:$0x4], $0xC000, $0x38;
	[tilespmem:$0x18980] =	vst v63  }
0xe2: {  	_ =	swait.ge [sflag:s11], $0xC000  }
0xe3: {  	[sflag:s11] =	ssyncset.done $0x0  }
0xe4: {  	[sflag:s11] =	ssyncadd.s32 $0xFFFF4000  }
0xe5: {  	[tilespmem:s9], [sflag:$0x2] =	stream.indirect.gather [hbm4b:s3+s10], $0x180, s26, s10, $0xb8;
	[tilespmem:$0x18980] =	vst v63  }
0xe6: {  	_ =	swait.ge [sflag:s8], $0xC000  }
0xe7: {  	[sflag:s8] =	ssyncset.done $0x0  }
0xe8: {  	s0 =	rddreg [dreg:$0x8];
	[sflag:s8] =	ssyncadd.s32 $0xFFFF4000  }
0xe9: {  	[hbm4b:s0+s2] =	stream.linear.scatter [tilespmem:s5], [sflag:$0x3], $0xC000, $0x38;
	[tilespmem:$0x18980] =	vst v63  }
0xea: {  	_ =	swait.ge [sflag:s6], $0xC000  }
0xeb: {  	[sflag:s6] =	ssyncset.done $0x0  }
0xec: {  	[sflag:s6] =	ssyncadd.s32 $0xFFFF4000  }
0xed: {  	[tilespmem:s5], [sflag:$0x1] =	stream.indirect.gather [hbm4b:s3+s10], $0x180, s25, s10, $0xb8;
	[tilespmem:$0x18980] =	vst v63  }
0xee: {  	_ =	swait.ge [sflag:s12], $0xC000  }
0xef: {  	[sflag:s12] =	ssyncset.done $0x0  }
0xf0: {  	s0 =	rddreg [dreg:$0x9];
	[sflag:s12] =	ssyncadd.s32 $0xFFFF4000  }
0xf1: {  	[hbm4b:s0+s2] =	stream.linear.scatter [tilespmem:s9], [sflag:$0x4], $0xC000, $0x38;
	[tilespmem:$0x18980] =	vst v63  }
0xf2: {  	_ =	swait.ge [sflag:s11], $0xC000  }
0xf3: {  	[sflag:s11] =	ssyncset.done $0x0  }
0xf4: {  	[sflag:s11] =	ssyncadd.s32 $0xFFFF4000  }
0xf5: {  	[tilespmem:s9], [sflag:$0x2] =	stream.indirect.gather [hbm4b:s3+s10], $0x180, s24, s10, $0xb8;
	[tilespmem:$0x18980] =	vst v63  }
0xf6: {  	_ =	swait.ge [sflag:s8], $0xC000  }
0xf7: {  	[sflag:s8] =	ssyncset.done $0x0  }
0xf8: {  	s0 =	rddreg [dreg:$0xa];
	[sflag:s8] =	ssyncadd.s32 $0xFFFF4000  }
0xf9: {  	[hbm4b:s0+s2] =	stream.linear.scatter [tilespmem:s5], [sflag:$0x3], $0xC000, $0x38;
	[tilespmem:$0x18980] =	vst v63  }
0xfa: {  	_ =	swait.ge [sflag:s6], $0xC000  }
0xfb: {  	[sflag:s6] =	ssyncset.done $0x0  }
0xfc: {  	[sflag:s6] =	ssyncadd.s32 $0xFFFF4000  }
0xfd: {  	[tilespmem:s5], [sflag:$0x1] =	stream.indirect.gather [hbm4b:s3+s10], $0x180, s23, s10, $0xb8;
	[tilespmem:$0x18980] =	vst v63  }
0xfe: {  	_ =	swait.ge [sflag:s12], $0xC000  }
0xff: {  	[sflag:s12] =	ssyncset.done $0x0  }
0x100: {  	s0 =	rddreg [dreg:$0xb];
	[sflag:s12] =	ssyncadd.s32 $0xFFFF4000  }
0x101: {  	[hbm4b:s0+s2] =	stream.linear.scatter [tilespmem:s9], [sflag:$0x4], $0xC000, $0x38;
	[tilespmem:$0x18980] =	vst v63  }
0x102: {  	_ =	swait.ge [sflag:s11], $0xC000  }
0x103: {  	[sflag:s11] =	ssyncset.done $0x0  }
0x104: {  	[sflag:s11] =	ssyncadd.s32 $0xFFFF4000  }
0x105: {  	[tilespmem:s9], [sflag:$0x2] =	stream.indirect.gather [hbm4b:s3+s10], $0x180, s22, s10, $0xb8;
	[tilespmem:$0x18980] =	vst v63  }
0x106: {  	_ =	swait.ge [sflag:s8], $0xC000  }
0x107: {  	[sflag:s8] =	ssyncset.done $0x0  }
0x108: {  	s0 =	rddreg [dreg:$0xc];
	[sflag:s8] =	ssyncadd.s32 $0xFFFF4000  }
0x109: {  	[hbm4b:s0+s2] =	stream.linear.scatter [tilespmem:s5], [sflag:$0x3], $0xC000, $0x38;
	[tilespmem:$0x18980] =	vst v63  }
0x10a: {  	_ =	swait.ge [sflag:s6], $0xC000  }
0x10b: {  	[sflag:s6] =	ssyncset.done $0x0  }
0x10c: {  	[sflag:s6] =	ssyncadd.s32 $0xFFFF4000  }
0x10d: {  	[tilespmem:s5], [sflag:$0x1] =	stream.indirect.gather [hbm4b:s3+s10], $0x180, s21, s10, $0xb8;
	[tilespmem:$0x18980] =	vst v63  }
0x10e: {  	_ =	swait.ge [sflag:s12], $0xC000  }
0x10f: {  	[sflag:s12] =	ssyncset.done $0x0  }
0x110: {  	s0 =	rddreg [dreg:$0xd];
	[sflag:s12] =	ssyncadd.s32 $0xFFFF4000  }
0x111: {  	[hbm4b:s0+s2] =	stream.linear.scatter [tilespmem:s9], [sflag:$0x4], $0xC000, $0x38;
	[tilespmem:$0x18980] =	vst v63  }
0x112: {  	_ =	swait.ge [sflag:s11], $0xC000  }
0x113: {  	[sflag:s11] =	ssyncset.done $0x0  }
0x114: {  	[sflag:s11] =	ssyncadd.s32 $0xFFFF4000  }
0x115: {  	[tilespmem:s9], [sflag:$0x2] =	stream.indirect.gather [hbm4b:s3+s10], $0x180, s20, s10, $0xb8;
	[tilespmem:$0x18980] =	vst v63  }
0x116: {  	_ =	swait.ge [sflag:s8], $0xC000  }
0x117: {  	[sflag:s8] =	ssyncset.done $0x0  }
0x118: {  	s0 =	rddreg [dreg:$0xe];
	[sflag:s8] =	ssyncadd.s32 $0xFFFF4000  }
0x119: {  	[hbm4b:s0+s2] =	stream.linear.scatter [tilespmem:s5], [sflag:$0x3], $0xC000, $0x38;
	[tilespmem:$0x18980] =	vst v63  }
0x11a: {  	_ =	swait.ge [sflag:s6], $0xC000  }
0x11b: {  	[sflag:s6] =	ssyncset.done $0x0  }
0x11c: {  	[sflag:s6] =	ssyncadd.s32 $0xFFFF4000  }
0x11d: {  	[tilespmem:s5], [sflag:$0x1] =	stream.indirect.gather [hbm4b:s3+s10], $0x180, s19, s10, $0xb8;
	[tilespmem:$0x18980] =	vst v63  }
0x11e: {  	_ =	swait.ge [sflag:s12], $0xC000  }
0x11f: {  	[sflag:s12] =	ssyncset.done $0x0  }
0x120: {  	s0 =	rddreg [dreg:$0xf];
	[sflag:s12] =	ssyncadd.s32 $0xFFFF4000  }
0x121: {  	[hbm4b:s0+s2] =	stream.linear.scatter [tilespmem:s9], [sflag:$0x4], $0xC000, $0x38;
	[tilespmem:$0x18980] =	vst v63  }
0x122: {  	_ =	swait.ge [sflag:s11], $0xC000  }
0x123: {  	[sflag:s11] =	ssyncset.done $0x0  }
0x124: {  	[sflag:s11] =	ssyncadd.s32 $0xFFFF4000  }
0x125: {  	[tilespmem:s9], [sflag:$0x2] =	stream.indirect.gather [hbm4b:s3+s10], $0x180, s18, s10, $0xb8;
	[tilespmem:$0x18980] =	vst v63  }
0x126: {  	_ =	swait.ge [sflag:s8], $0xC000  }
0x127: {  	[sflag:s8] =	ssyncset.done $0x0  }
0x128: {  	s0 =	rddreg [dreg:$0x10];
	[sflag:s8] =	ssyncadd.s32 $0xFFFF4000  }
0x129: {  	[hbm4b:s0+s2] =	stream.linear.scatter [tilespmem:s5], [sflag:$0x3], $0xC000, $0x38;
	[tilespmem:$0x18980] =	vst v63  }
0x12a: {  	_ =	swait.ge [sflag:s6], $0xC000  }
0x12b: {  	[sflag:s6] =	ssyncset.done $0x0  }
0x12c: {  	[sflag:s6] =	ssyncadd.s32 $0xFFFF4000  }
0x12d: {  	[tilespmem:s5], [sflag:$0x1] =	stream.indirect.gather [hbm4b:s3+s10], $0x180, s17, s10, $0xb8;
	[tilespmem:$0x18980] =	vst v63  }
0x12e: {  	_ =	swait.ge [sflag:s12], $0xC000  }
0x12f: {  	[sflag:s12] =	ssyncset.done $0x0  }
0x130: {  	s0 =	rddreg [dreg:$0x11];
	[sflag:s12] =	ssyncadd.s32 $0xFFFF4000  }
0x131: {  	[hbm4b:s0+s2] =	stream.linear.scatter [tilespmem:s9], [sflag:$0x4], $0xC000, $0x38;
	[tilespmem:$0x18980] =	vst v63  }
0x132: {  	_ =	swait.ge [sflag:s11], $0xC000  }
0x133: {  	[sflag:s11] =	ssyncset.done $0x0  }
0x134: {  	[sflag:s11] =	ssyncadd.s32 $0xFFFF4000  }
0x135: {  	[tilespmem:s9], [sflag:$0x2] =	stream.indirect.gather [hbm4b:s3+s10], $0x180, s16, s10, $0xb8;
	[tilespmem:$0x18980] =	vst v63  }
0x136: {  	_ =	swait.ge [sflag:s8], $0xC000  }
0x137: {  	[sflag:s8] =	ssyncset.done $0x0  }
0x138: {  	s0 =	rddreg [dreg:$0x12];
	[sflag:s8] =	ssyncadd.s32 $0xFFFF4000  }
0x139: {  	[hbm4b:s0+s2] =	stream.linear.scatter [tilespmem:s5], [sflag:$0x3], $0xC000, $0x38;
	[tilespmem:$0x18980] =	vst v63  }
0x13a: {  	_ =	swait.ge [sflag:s6], $0xC000  }
0x13b: {  	[sflag:s6] =	ssyncset.done $0x0  }
0x13c: {  	[sflag:s6] =	ssyncadd.s32 $0xFFFF4000  }
0x13d: {  	[tilespmem:s5], [sflag:$0x1] =	stream.indirect.gather [hbm4b:s3+s10], $0x180, s15, s10, $0xb8;
	[tilespmem:$0x18980] =	vst v63  }
0x13e: {  	_ =	swait.ge [sflag:s12], $0xC000  }
0x13f: {  	[sflag:s12] =	ssyncset.done $0x0  }
0x140: {  	s0 =	rddreg [dreg:$0x13];
	[sflag:s12] =	ssyncadd.s32 $0xFFFF4000  }
0x141: {  	[hbm4b:s0+s2] =	stream.linear.scatter [tilespmem:s9], [sflag:$0x4], $0xC000, $0x38;
	[tilespmem:$0x18980] =	vst v63  }
0x142: {  	_ =	swait.ge [sflag:s11], $0xC000  }
0x143: {  	[sflag:s11] =	ssyncset.done $0x0  }
0x144: {  	[sflag:s11] =	ssyncadd.s32 $0xFFFF4000  }
0x145: {  	[tilespmem:s9], [sflag:$0x2] =	stream.indirect.gather [hbm4b:s3+s10], $0x180, s14, s10, $0xb8;
	[tilespmem:$0x18980] =	vst v63  }
0x146: {  	_ =	swait.ge [sflag:s8], $0xC000  }
0x147: {  	[sflag:s8] =	ssyncset.done $0x0  }
0x148: {  	s0 =	rddreg [dreg:$0x14];
	[sflag:s8] =	ssyncadd.s32 $0xFFFF4000  }
0x149: {  	[hbm4b:s0+s2] =	stream.linear.scatter [tilespmem:s5], [sflag:$0x3], $0xC000, $0x38;
	[tilespmem:$0x18980] =	vst v63  }
0x14a: {  	_ =	swait.ge [sflag:s6], $0xC000  }
0x14b: {  	[sflag:s6] =	ssyncset.done $0x0  }
0x14c: {  	[sflag:s6] =	ssyncadd.s32 $0xFFFF4000  }
0x14d: {  	[tilespmem:s5], [sflag:$0x1] =	stream.indirect.gather [hbm4b:s3+s10], $0x180, s13, s10, $0xb8;
	[tilespmem:$0x18980] =	vst v63  }
0x14e: {  	_ =	swait.ge [sflag:s12], $0xC000  }
0x14f: {  	[sflag:s12] =	ssyncset.done $0x0  }
0x150: {  	[sflag:s12] =	ssyncadd.s32 $0xFFFF4000  }
0x151: {  	[hbm4b:s7+s2] =	stream.linear.scatter [tilespmem:s9], [sflag:$0x4], $0xC000, $0x38;
	[tilespmem:$0x18980] =	vst v63  }
0x152: {  	_ =	swait.ge [sflag:s11], $0xC000  }
0x153: {  	[sflag:s11] =	ssyncset.done $0x0  }
0x154: {  	[sflag:s11] =	ssyncadd.s32 $0xFFFF4000  }
0x155: {  	p1 =	sne.s32 s1, $0x1;
	_ =	swait.ge [sflag:s8], $0xC000  }
.Ltmp2:
0x156: {  	[sflag:s8] =	ssyncset.done $0x0;
	(pc) =	sbr.rel @p1 .LBB2_2-.Ltmp2, $4  }
0x157: {  	[sflag:s8] =	ssyncadd.s32 $0xFFFF4000  }
0x158: {  	[hbm4b:s4+s2] =	stream.linear.scatter [tilespmem:s5], [sflag:$0x3], $0xC000, $0x38;
	[tilespmem:$0x18980] =	vst v63  }
0x159: {  	_ =	swait.ge [sflag:s6], $0xC000  }
0x15a: {  	s1 =	sadd.s32 $0xFFFFFFFF, s1;
	s0 =	rddreg [dreg:$0x3];
	[sflag:s6] =	ssyncset.done $0x0  }
.LBB2_3:
0x15b: {  	[sflag:s6] =	ssyncadd.s32 @p0 $0xFFFF4000  }
0x15c: {  	[tilespmem:s2], [sflag:$0x5] =	stream.linear.gather [hbm4b:s0+s2], $0x980, $0x38;
	[tilespmem:$0x18980] =	vst v63  }
0x15d: {  	_ =	swait.ge [sflag:s31], $0x980  }
0x15e: {  	[sflag:s31] =	ssyncset.done $0x0  }
0x15f: {  	[sflag:s31] =	ssyncadd.s32 $0xFFFFF680  }
0x160: {  	[tilespmem:s5], [sflag:$0x1] =	stream.indirect.gather [hbm4b:s3+s10], $0x180, s2, s10, $0xb8;
	[tilespmem:$0x18980] =	vst v63  }
0x161: {  	_ = 	snop  }
0x162: {  	[tilespmem:s9], [sflag:$0x2] =	stream.indirect.gather [hbm4b:s3+s10], $0x180, s10, s10, $0xb8;
	[tilespmem:$0x18980] =	vst v63  }
0x163: {  	_ =	swait.ge [sflag:s8], $0xC000  }
0x164: {  	[sflag:s8] =	ssyncset.done $0x0  }
0x165: {  	s1 =	rddreg [dreg:$0x4];
	[sflag:s8] =	ssyncadd.s32 $0xFFFF4000  }
0x166: {  	[hbm4b:s1+s2] =	stream.linear.scatter [tilespmem:s5], [sflag:$0x3], $0xC000, $0x38;
	[tilespmem:$0x18980] =	vst v63  }
0x167: {  	_ =	swait.ge [sflag:s6], $0xC000  }
0x168: {  	[sflag:s6] =	ssyncset.done $0x0  }
0x169: {  	[sflag:s6] =	ssyncadd.s32 $0xFFFF4000  }
0x16a: {  	[tilespmem:s5], [sflag:$0x1] =	stream.indirect.gather [hbm4b:s3+s10], $0x180, s30, s10, $0xb8;
	[tilespmem:$0x18980] =	vst v63  }
0x16b: {  	_ =	swait.ge [sflag:s12], $0xC000  }
0x16c: {  	[sflag:s12] =	ssyncset.done $0x0  }
0x16d: {  	s30 =	rddreg [dreg:$0x5];
	[sflag:s12] =	ssyncadd.s32 $0xFFFF4000  }
0x16e: {  	[hbm4b:s30+s2] =	stream.linear.scatter [tilespmem:s9], [sflag:$0x4], $0xC000, $0x38;
	[tilespmem:$0x18980] =	vst v63  }
0x16f: {  	_ =	swait.ge [sflag:s11], $0xC000  }
0x170: {  	[sflag:s11] =	ssyncset.done $0x0  }
0x171: {  	[sflag:s11] =	ssyncadd.s32 $0xFFFF4000  }
0x172: {  	[tilespmem:s9], [sflag:$0x2] =	stream.indirect.gather [hbm4b:s3+s10], $0x180, s29, s10, $0xb8;
	[tilespmem:$0x18980] =	vst v63  }
0x173: {  	_ =	swait.ge [sflag:s8], $0xC000  }
0x174: {  	[sflag:s8] =	ssyncset.done $0x0  }
0x175: {  	s31 =	rddreg [dreg:$0x6];
	[sflag:s8] =	ssyncadd.s32 $0xFFFF4000  }
0x176: {  	[hbm4b:s31+s2] =	stream.linear.scatter [tilespmem:s5], [sflag:$0x3], $0xC000, $0x38;
	[tilespmem:$0x18980] =	vst v63  }
0x177: {  	_ =	swait.ge [sflag:s6], $0xC000  }
0x178: {  	[sflag:s6] =	ssyncset.done $0x0  }
0x179: {  	[sflag:s6] =	ssyncadd.s32 $0xFFFF4000  }
0x17a: {  	[tilespmem:s5], [sflag:$0x1] =	stream.indirect.gather [hbm4b:s3+s10], $0x180, s28, s10, $0xb8;
	[tilespmem:$0x18980] =	vst v63  }
0x17b: {  	_ =	swait.ge [sflag:s12], $0xC000  }
0x17c: {  	[sflag:s12] =	ssyncset.done $0x0  }
0x17d: {  	s1 =	rddreg [dreg:$0x7];
	[sflag:s12] =	ssyncadd.s32 $0xFFFF4000  }
0x17e: {  	[hbm4b:s1+s2] =	stream.linear.scatter [tilespmem:s9], [sflag:$0x4], $0xC000, $0x38;
	[tilespmem:$0x18980] =	vst v63  }
0x17f: {  	_ =	swait.ge [sflag:s11], $0xC000  }
0x180: {  	[sflag:s11] =	ssyncset.done $0x0  }
0x181: {  	[sflag:s11] =	ssyncadd.s32 $0xFFFF4000  }
0x182: {  	[tilespmem:s9], [sflag:$0x2] =	stream.indirect.gather [hbm4b:s3+s10], $0x180, s26, s10, $0xb8;
	[tilespmem:$0x18980] =	vst v63  }
0x183: {  	_ =	swait.ge [sflag:s8], $0xC000  }
0x184: {  	[sflag:s8] =	ssyncset.done $0x0  }
0x185: {  	s28 =	rddreg [dreg:$0x8];
	[sflag:s8] =	ssyncadd.s32 $0xFFFF4000  }
0x186: {  	[hbm4b:s28+s2] =	stream.linear.scatter [tilespmem:s5], [sflag:$0x3], $0xC000, $0x38;
	[tilespmem:$0x18980] =	vst v63  }
0x187: {  	_ =	swait.ge [sflag:s6], $0xC000  }
0x188: {  	[sflag:s6] =	ssyncset.done $0x0  }
0x189: {  	[sflag:s6] =	ssyncadd.s32 $0xFFFF4000  }
0x18a: {  	[tilespmem:s5], [sflag:$0x1] =	stream.indirect.gather [hbm4b:s3+s10], $0x180, s25, s10, $0xb8;
	[tilespmem:$0x18980] =	vst v63  }
0x18b: {  	_ =	swait.ge [sflag:s12], $0xC000  }
0x18c: {  	[sflag:s12] =	ssyncset.done $0x0  }
0x18d: {  	s29 =	rddreg [dreg:$0x9];
	[sflag:s12] =	ssyncadd.s32 $0xFFFF4000  }
0x18e: {  	[hbm4b:s29+s2] =	stream.linear.scatter [tilespmem:s9], [sflag:$0x4], $0xC000, $0x38;
	[tilespmem:$0x18980] =	vst v63  }
0x18f: {  	_ =	swait.ge [sflag:s11], $0xC000  }
0x190: {  	[sflag:s11] =	ssyncset.done $0x0  }
0x191: {  	[sflag:s11] =	ssyncadd.s32 $0xFFFF4000  }
0x192: {  	[tilespmem:s9], [sflag:$0x2] =	stream.indirect.gather [hbm4b:s3+s10], $0x180, s24, s10, $0xb8;
	[tilespmem:$0x18980] =	vst v63  }
0x193: {  	_ =	swait.ge [sflag:s8], $0xC000  }
0x194: {  	[sflag:s8] =	ssyncset.done $0x0  }
0x195: {  	s30 =	rddreg [dreg:$0xa];
	[sflag:s8] =	ssyncadd.s32 $0xFFFF4000  }
0x196: {  	[hbm4b:s30+s2] =	stream.linear.scatter [tilespmem:s5], [sflag:$0x3], $0xC000, $0x38;
	[tilespmem:$0x18980] =	vst v63  }
0x197: {  	_ =	swait.ge [sflag:s6], $0xC000  }
0x198: {  	[sflag:s6] =	ssyncset.done $0x0  }
0x199: {  	[sflag:s6] =	ssyncadd.s32 $0xFFFF4000  }
0x19a: {  	[tilespmem:s5], [sflag:$0x1] =	stream.indirect.gather [hbm4b:s3+s10], $0x180, s23, s10, $0xb8;
	[tilespmem:$0x18980] =	vst v63  }
0x19b: {  	_ =	swait.ge [sflag:s12], $0xC000  }
0x19c: {  	[sflag:s12] =	ssyncset.done $0x0  }
0x19d: {  	s31 =	rddreg [dreg:$0xb];
	[sflag:s12] =	ssyncadd.s32 $0xFFFF4000  }
0x19e: {  	[hbm4b:s31+s2] =	stream.linear.scatter [tilespmem:s9], [sflag:$0x4], $0xC000, $0x38;
	[tilespmem:$0x18980] =	vst v63  }
0x19f: {  	_ =	swait.ge [sflag:s11], $0xC000  }
0x1a0: {  	[sflag:s11] =	ssyncset.done $0x0  }
0x1a1: {  	[sflag:s11] =	ssyncadd.s32 $0xFFFF4000  }
0x1a2: {  	[tilespmem:s9], [sflag:$0x2] =	stream.indirect.gather [hbm4b:s3+s10], $0x180, s22, s10, $0xb8;
	[tilespmem:$0x18980] =	vst v63  }
0x1a3: {  	_ =	swait.ge [sflag:s8], $0xC000  }
0x1a4: {  	[sflag:s8] =	ssyncset.done $0x0  }
0x1a5: {  	s1 =	rddreg [dreg:$0xc];
	[sflag:s8] =	ssyncadd.s32 $0xFFFF4000  }
0x1a6: {  	[hbm4b:s1+s2] =	stream.linear.scatter [tilespmem:s5], [sflag:$0x3], $0xC000, $0x38;
	[tilespmem:$0x18980] =	vst v63  }
0x1a7: {  	_ =	swait.ge [sflag:s6], $0xC000  }
0x1a8: {  	[sflag:s6] =	ssyncset.done $0x0  }
0x1a9: {  	[sflag:s6] =	ssyncadd.s32 $0xFFFF4000  }
0x1aa: {  	[tilespmem:s5], [sflag:$0x1] =	stream.indirect.gather [hbm4b:s3+s10], $0x180, s21, s10, $0xb8;
	[tilespmem:$0x18980] =	vst v63  }
0x1ab: {  	_ =	swait.ge [sflag:s12], $0xC000  }
0x1ac: {  	[sflag:s12] =	ssyncset.done $0x0  }
0x1ad: {  	s22 =	rddreg [dreg:$0xd];
	[sflag:s12] =	ssyncadd.s32 $0xFFFF4000  }
0x1ae: {  	[hbm4b:s22+s2] =	stream.linear.scatter [tilespmem:s9], [sflag:$0x4], $0xC000, $0x38;
	[tilespmem:$0x18980] =	vst v63  }
0x1af: {  	_ =	swait.ge [sflag:s11], $0xC000  }
0x1b0: {  	[sflag:s11] =	ssyncset.done $0x0  }
0x1b1: {  	[sflag:s11] =	ssyncadd.s32 $0xFFFF4000  }
0x1b2: {  	[tilespmem:s9], [sflag:$0x2] =	stream.indirect.gather [hbm4b:s3+s10], $0x180, s20, s10, $0xb8;
	[tilespmem:$0x18980] =	vst v63  }
0x1b3: {  	_ =	swait.ge [sflag:s8], $0xC000  }
0x1b4: {  	[sflag:s8] =	ssyncset.done $0x0  }
0x1b5: {  	s23 =	rddreg [dreg:$0xe];
	[sflag:s8] =	ssyncadd.s32 $0xFFFF4000  }
0x1b6: {  	[hbm4b:s23+s2] =	stream.linear.scatter [tilespmem:s5], [sflag:$0x3], $0xC000, $0x38;
	[tilespmem:$0x18980] =	vst v63  }
0x1b7: {  	_ =	swait.ge [sflag:s6], $0xC000  }
0x1b8: {  	[sflag:s6] =	ssyncset.done $0x0  }
0x1b9: {  	[sflag:s6] =	ssyncadd.s32 $0xFFFF4000  }
0x1ba: {  	[tilespmem:s5], [sflag:$0x1] =	stream.indirect.gather [hbm4b:s3+s10], $0x180, s19, s10, $0xb8;
	[tilespmem:$0x18980] =	vst v63  }
0x1bb: {  	_ =	swait.ge [sflag:s12], $0xC000  }
0x1bc: {  	[sflag:s12] =	ssyncset.done $0x0  }
0x1bd: {  	s24 =	rddreg [dreg:$0xf];
	[sflag:s12] =	ssyncadd.s32 $0xFFFF4000  }
0x1be: {  	[hbm4b:s24+s2] =	stream.linear.scatter [tilespmem:s9], [sflag:$0x4], $0xC000, $0x38;
	[tilespmem:$0x18980] =	vst v63  }
0x1bf: {  	_ =	swait.ge [sflag:s11], $0xC000  }
0x1c0: {  	[sflag:s11] =	ssyncset.done $0x0  }
0x1c1: {  	[sflag:s11] =	ssyncadd.s32 $0xFFFF4000  }
0x1c2: {  	[tilespmem:s9], [sflag:$0x2] =	stream.indirect.gather [hbm4b:s3+s10], $0x180, s18, s10, $0xb8;
	[tilespmem:$0x18980] =	vst v63  }
0x1c3: {  	_ =	swait.ge [sflag:s8], $0xC000  }
0x1c4: {  	[sflag:s8] =	ssyncset.done $0x0  }
0x1c5: {  	s25 =	rddreg [dreg:$0x10];
	[sflag:s8] =	ssyncadd.s32 $0xFFFF4000  }
0x1c6: {  	[hbm4b:s25+s2] =	stream.linear.scatter [tilespmem:s5], [sflag:$0x3], $0xC000, $0x38;
	[tilespmem:$0x18980] =	vst v63  }
0x1c7: {  	_ =	swait.ge [sflag:s6], $0xC000  }
0x1c8: {  	[sflag:s6] =	ssyncset.done $0x0  }
0x1c9: {  	[sflag:s6] =	ssyncadd.s32 $0xFFFF4000  }
0x1ca: {  	[tilespmem:s5], [sflag:$0x1] =	stream.indirect.gather [hbm4b:s3+s10], $0x180, s17, s10, $0xb8;
	[tilespmem:$0x18980] =	vst v63  }
0x1cb: {  	_ =	swait.ge [sflag:s12], $0xC000  }
0x1cc: {  	[sflag:s12] =	ssyncset.done $0x0  }
0x1cd: {  	s26 =	rddreg [dreg:$0x11];
	[sflag:s12] =	ssyncadd.s32 $0xFFFF4000  }
0x1ce: {  	[hbm4b:s26+s2] =	stream.linear.scatter [tilespmem:s9], [sflag:$0x4], $0xC000, $0x38;
	[tilespmem:$0x18980] =	vst v63  }
0x1cf: {  	_ =	swait.ge [sflag:s11], $0xC000  }
0x1d0: {  	[sflag:s11] =	ssyncset.done $0x0  }
0x1d1: {  	[sflag:s11] =	ssyncadd.s32 $0xFFFF4000  }
0x1d2: {  	[tilespmem:s9], [sflag:$0x2] =	stream.indirect.gather [hbm4b:s3+s10], $0x180, s16, s10, $0xb8;
	[tilespmem:$0x18980] =	vst v63  }
0x1d3: {  	_ =	swait.ge [sflag:s8], $0xC000  }
0x1d4: {  	[sflag:s8] =	ssyncset.done $0x0  }
0x1d5: {  	s28 =	rddreg [dreg:$0x12];
	[sflag:s8] =	ssyncadd.s32 $0xFFFF4000  }
0x1d6: {  	[hbm4b:s28+s2] =	stream.linear.scatter [tilespmem:s5], [sflag:$0x3], $0xC000, $0x38;
	[tilespmem:$0x18980] =	vst v63  }
0x1d7: {  	_ =	swait.ge [sflag:s6], $0xC000  }
0x1d8: {  	[sflag:s6] =	ssyncset.done $0x0  }
0x1d9: {  	[sflag:s6] =	ssyncadd.s32 $0xFFFF4000  }
0x1da: {  	[tilespmem:s5], [sflag:$0x1] =	stream.indirect.gather [hbm4b:s3+s10], $0x180, s15, s10, $0xb8;
	[tilespmem:$0x18980] =	vst v63  }
0x1db: {  	_ =	swait.ge [sflag:s12], $0xC000  }
0x1dc: {  	[sflag:s12] =	ssyncset.done $0x0  }
0x1dd: {  	s29 =	rddreg [dreg:$0x13];
	[sflag:s12] =	ssyncadd.s32 $0xFFFF4000  }
0x1de: {  	[hbm4b:s29+s2] =	stream.linear.scatter [tilespmem:s9], [sflag:$0x4], $0xC000, $0x38;
	[tilespmem:$0x18980] =	vst v63  }
0x1df: {  	_ =	swait.ge [sflag:s11], $0xC000  }
0x1e0: {  	[sflag:s11] =	ssyncset.done $0x0  }
0x1e1: {  	[sflag:s11] =	ssyncadd.s32 $0xFFFF4000  }
0x1e2: {  	[tilespmem:s9], [sflag:$0x2] =	stream.indirect.gather [hbm4b:s3+s10], $0x180, s14, s10, $0xb8;
	[tilespmem:$0x18980] =	vst v63  }
0x1e3: {  	_ =	swait.ge [sflag:s8], $0xC000  }
0x1e4: {  	[sflag:s8] =	ssyncset.done $0x0  }
0x1e5: {  	s30 =	rddreg [dreg:$0x14];
	[sflag:s8] =	ssyncadd.s32 $0xFFFF4000  }
0x1e6: {  	[hbm4b:s30+s2] =	stream.linear.scatter [tilespmem:s5], [sflag:$0x3], $0xC000, $0x38;
	[tilespmem:$0x18980] =	vst v63  }
0x1e7: {  	_ =	swait.ge [sflag:s6], $0xC000  }
0x1e8: {  	[sflag:s6] =	ssyncset.done $0x0  }
0x1e9: {  	[sflag:s6] =	ssyncadd.s32 $0xFFFF4000  }
0x1ea: {  	[tilespmem:s5], [sflag:$0x1] =	stream.indirect.gather [hbm4b:s3+s10], $0x180, s13, s10, $0xb8;
	[tilespmem:$0x18980] =	vst v63  }
0x1eb: {  	_ =	swait.ge [sflag:s12], $0xC000  }
0x1ec: {  	[sflag:s12] =	ssyncset.done $0x0  }
0x1ed: {  	[sflag:s12] =	ssyncadd.s32 $0xFFFF4000  }
0x1ee: {  	[hbm4b:s7+s2] =	stream.linear.scatter [tilespmem:s9], [sflag:$0x4], $0xC000, $0x38;
	[tilespmem:$0x18980] =	vst v63  }
0x1ef: {  	_ =	swait.ge [sflag:s11], $0xC000  }
0x1f0: {  	[sflag:s11] =	ssyncset.done $0x0  }
0x1f1: {  	[sflag:s11] =	ssyncadd.s32 $0xFFFF4000  }
0x1f2: {  	_ =	swait.ge [sflag:s8], $0xC000  }
0x1f3: {  	[sflag:s8] =	ssyncset.done $0x0  }
0x1f4: {  	[sflag:s8] =	ssyncadd.s32 $0xFFFF4000  }
0x1f5: {  	[hbm4b:s4+s2] =	stream.linear.scatter [tilespmem:s5], [sflag:$0x3], $0xC000, $0x38;
	[tilespmem:$0x18980] =	vst v63  }
0x1f6: {  	_ =	swait.ge [sflag:s6], $0xC000  }
0x1f7: {  	[sflag:s6] =	ssyncset.done $0x0  }
0x1f8: {  	[sflag:s6] =	ssyncadd.s32 $0xFFFF4000  }
0x1f9: {  	_ =	sfence.sel $0x180000  }
0x1fa: {  	[bflag:$0x0] =	sbarrier.arrive $0xFFFF  }
0x1fb: {  	_ =	strace $0x9000004A  }
0x1fc: {  	s31 =	stileid.u32;
	[bflag:$0x2] =	sbarrier.arrive $0xFFFF  }
0x1fd: {  	p0 =	sne.s32 s31, $0x0;
	s0 =	rddreg [dreg:$0x2]  }
0x1fe: {  	s0 =	sadd.s32 @!p0 $0x100000, s0  }
0x1ff: {  	[sflag:s0] =	ssyncadd.tile.s32 @!p0 $0x1;
	_ =	shalt  }
.Lfunc_end2:
_tile_overlayer_lowered:
.L_overlay_start_2:
0x200: {  	(tag) =	ssettag $0x2  }
0x201: {  	s0 =	rddreg [dreg:$0x0];
	s2 =	stileid.u32  }
0x202: {  	s1 =	rddreg [dreg:$0x1];
	p0 =	sne.s32 s2, $0x0  }
0x203: {  	s3 =	rddreg [dreg:$0x2];
	[bflag:$0x3] =	sbarrier.arrive $0xFFFF;
	s2 =	simm.s32 @!p0 $0x1C05  }
0x204: {  	[timem:s3], [sflag:s2] =	dma.local @!p0 [hbm:s0], s1  }
0x205: {  	s0 =	simm.s32 @!p0 $0x5  }
0x206: {  	_ =	swait.ge @!p0 [sflag:s0], s1  }
0x207: {  	s1 =	ssub.s32 @!p0 $0x0, s1;
	[sflag:s0] =	ssyncset.done @!p0 $0x0  }
0x208: {  	[sflag:s0] =	ssyncadd.s32 @!p0 s1  }
0x209: {  	[bflag:$0x3] =	sbarrier.arrive $0xFFFF  }
0x20a: {  	_ =	shalt  }

</sc_bundles>
